<compile_context>
chip_gen: v7x
topology: tpu7x:2x2x1
jax: 0.10.2.dev20260603
libtpu: 0.0.44.dev20260713+nightly
codegen_flags: <defaults>
</compile_context>

<pallas_src>
import functools
import math

import jax
import jax.numpy as jnp
from jax import lax
from jax.experimental import pallas as pl
from jax.experimental.pallas import tpu as pltpu
from jax.experimental.pallas import tpu_sc as plsc

EMB = 64
SCALE = math.sqrt(float(EMB))
NC = 2
NS = 16
NW = NC * NS
LANES = 16
BCHUNK = 4
GROUP = 4


def _xlane_sum(x):
    for d in (1, 2, 4, 8):
        perm = lax.iota(jnp.int32, LANES) ^ d
        x = x + x.at[perm].get(mode="promise_in_bounds")
    return x


def _unpack_pair(w):
    lo = lax.bitcast_convert_type(lax.shift_left(w, 16), jnp.float32)
    hi = lax.bitcast_convert_type(w & jnp.int32(-65536), jnp.float32)
    return lo, hi


def _row_update(rows_v, out_v, tok_v, r):
    col = (tok_v[pl.ds(r, LANES)][0] & (GROUP - 1)) * (2 * LANES)
    wa = rows_v[r, pl.ds(col, LANES)]
    wb = rows_v[r, pl.ds(col + LANES, LANES)]
    v0, v1 = _unpack_pair(wa)
    v2, v3 = _unpack_pair(wb)
    ss = v0 * v0 + v1 * v1 + v2 * v2 + v3 * v3
    tv = _xlane_sum(ss)
    m = jnp.maximum(tv, 1.0)
    i = lax.bitcast_convert_type(m, jnp.int32)
    i = jnp.int32(0x5F3759DF) - lax.shift_right_arithmetic(i, 1)
    y = lax.bitcast_convert_type(i, jnp.float32)
    h = 0.5 * m
    y = y * (1.5 - h * y * y)
    y = y * (1.5 - h * y * y)
    f = y * SCALE
    out_v[r, pl.ds(0, LANES)] = v0 * f
    out_v[r, pl.ds(LANES, LANES)] = v1 * f
    out_v[r, pl.ds(2 * LANES, LANES)] = v2 * f
    out_v[r, pl.ds(3 * LANES, LANES)] = v3 * f


@functools.partial(jax.jit, static_argnames=("b", "l"))
def _emb_lookup(tokens_flat, table_pk, *, b, l):
    n = b * l
    per_w = n // NW
    b_per_w = b // NW
    nchunk = b_per_w // BCHUNK
    chunk = BCHUNK * l

    mesh = plsc.VectorSubcoreMesh(core_axis_name="c", subcore_axis_name="s")

    @functools.partial(
        pl.kernel,
        mesh=mesh,
        out_type=jax.ShapeDtypeStruct((b, l, EMB), jnp.float32),
        scratch_types=[
            pltpu.VMEM((chunk + LANES,), jnp.int32),
            pltpu.VMEM((chunk + LANES,), jnp.int32),
            pltpu.VMEM((chunk,), jnp.int32),
            pltpu.VMEM((chunk, 2 * EMB), jnp.int32),
            pltpu.VMEM((chunk, 2 * EMB), jnp.int32),
            pltpu.VMEM((chunk, EMB), jnp.float32),
            pltpu.SemaphoreType.DMA,
        ],
    )
    def body(
        tok_hbm, table_hbm, out_hbm,
        tok_v0, tok_v1, idx_v, rows_v0, rows_v1, out_v, sem,
    ):
        wid = lax.axis_index("s") * NC + lax.axis_index("c")
        base = wid * per_w
        bbase = wid * b_per_w
        nidx = chunk // LANES + (1 if chunk % LANES else 0)
        toks = (tok_v0, tok_v1)
        rows = (rows_v0, rows_v1)

        def fetch(g, p):
            tok_v = toks[p]
            off = base + g * chunk
            pltpu.sync_copy(
                tok_hbm.at[pl.ds(off, chunk)], tok_v.at[pl.ds(0, chunk)]
            )

            @plsc.parallel_loop(0, nidx, unroll=4)
            def make_idx(i):
                s = jnp.minimum(i * LANES, chunk - LANES)
                t = tok_v[pl.ds(s, LANES)]
                idx_v[pl.ds(s, LANES)] = lax.shift_right_logical(t, 2)

            return pltpu.make_async_copy(table_hbm.at[idx_v], rows[p], sem)

        def consume(g, p):
            b0 = bbase + g * BCHUNK

            @plsc.parallel_loop(0, chunk, unroll=8)
            def do_row(r):
                _row_update(rows[p], out_v, toks[p], r)

            for bb in range(BCHUNK):
                pltpu.sync_copy(
                    out_v.at[pl.ds(bb * l, l)], out_hbm.at[b0 + bb]
                )

        fetch(0, 0).start()

        def do_pair(h, carry):
            for p in (0, 1):
                g = 2 * h + p
                pltpu.make_async_copy(table_hbm.at[idx_v], rows[p], sem).wait()
                gn = jnp.minimum(g + 1, nchunk - 1)
                fetch(gn, 1 - p).start()
                consume(g, p)
            return carry

        lax.fori_loop(0, nchunk // 2, do_pair, 0)
        pltpu.make_async_copy(table_hbm.at[idx_v], rows[0], sem).wait()

    return body(tokens_flat, table_pk)


def kernel(tokens, table):
    b, l = tokens.shape
    flat = tokens.reshape(-1).astype(jnp.int32)
    v = table.shape[0]
    t4 = table.reshape(v // GROUP, GROUP, EMB)

    def bf16_rne(x):
        xu = lax.bitcast_convert_type(x, jnp.uint32)
        return (xu + jnp.uint32(0x7FFF) + ((xu >> 16) & 1)) >> 16

    pieces = []
    for g in range(GROUP):
        for h in range(2):
            a = t4[:, g, 32 * h : 32 * h + LANES]
            c = t4[:, g, 32 * h + LANES : 32 * h + 2 * LANES]
            pieces.append(bf16_rne(a) | (bf16_rne(c) << 16))
    table_pk = lax.bitcast_convert_type(
        jnp.concatenate(pieces, axis=1), jnp.int32
    )
    return _emb_lookup(flat, table_pk, b=b, l=l)

# --- scband reference (transcript-rebuilt; emitter-appended) ---
"""Pipeline reference for scband-token-embedding-37271726195483 (READ-ONLY COPY).

The authoritative reference and input builder live on the scoring server;
editing this copy changes nothing except your own understanding.
"""

import jax, jax.numpy as jnp
import numpy as np
import math

DICT_SIZE = 1000000
EMB_SIZE = 64
MAX_NORM = 1.0

def setup_inputs(seed: int = 0) -> dict:
    key = jax.random.key(seed)
    k1, k2 = jax.random.split(key)
    tokens = jax.random.randint(k1, (16384, 50), 0, DICT_SIZE, dtype=jnp.int64 if jax.config.jax_enable_x64 else jnp.int32)
    table = jax.random.normal(k2, (DICT_SIZE, EMB_SIZE), dtype=jnp.float32)
    return {"tokens": tokens, "table": table}

def reference(tokens, table):
    # nn.Embedding(..., max_norm=True) renormalizes looked-up rows so that
    # their L2 norm is at most max_norm (= 1.0 when max_norm=True is passed,
    # since bool True coerces to 1.0). Equivalent forward math:
    emb = jnp.take(table, tokens, axis=0)  # [B, L, E]
    norms = jnp.linalg.norm(emb, axis=-1, keepdims=True)
    scale = jnp.minimum(1.0, MAX_NORM / jnp.maximum(norms, 1e-12))
    emb = emb * scale
    return emb * math.sqrt(EMB_SIZE)

if __name__ == "__main__":
    import jax
    _d = setup_inputs()
    print(jax.jit(kernel)(*tuple(_d.values())))

</pallas_src>

<mosaic_0001>
#map = affine_map<(d0, d1) -> (0)>
#map1 = affine_map<(d0, d1) -> (0, 0)>
#map2 = affine_map<(d0, d1) -> (0, 0, 0)>
module attributes {stable_mosaic.version = 14 : i64} {
  func.func @body(%arg0: i32, %arg1: i32, %arg2: memref<819200xi32, #tpu.memory_space<hbm>>, %arg3: memref<250000x128xi32, #tpu.memory_space<hbm>>, %arg4: memref<16384x50x64xf32, #tpu.memory_space<hbm>>, %arg5: memref<216xi32, #tpu.memory_space<vmem>>, %arg6: memref<216xi32, #tpu.memory_space<vmem>>, %arg7: memref<200xi32, #tpu.memory_space<vmem>>, %arg8: memref<200x128xi32, #tpu.memory_space<vmem>>, %arg9: memref<200x128xi32, #tpu.memory_space<vmem>>, %arg10: memref<200x64xf32, #tpu.memory_space<vmem>>, %arg11: memref<!tpu.dma_semaphore, #tpu.memory_space<semaphore_mem>>) attributes {dimension_semantics = [#tpu.dimension_semantics<core_parallel>, #tpu.dimension_semantics<subcore_parallel>], iteration_bounds = array<i64: 2, 16>, scalar_prefetch = 0 : i64, scratch_operands = 7 : i64, tpu.core_type = #tpu.core_type<sc_vector_subcore>, window_params = [{transform_indices = #map}, {transform_indices = #map1}, {transform_indices = #map2}]} {
    %mul3A = arith.constant 2 : i32
    %mul3A_0 = arith.muli %arg1, %mul3A : i32
    %add3A = arith.addi %mul3A_0, %arg0 : i32
    %mul3A_1 = arith.constant 25600 : i32
    %mul3A_2 = arith.muli %add3A, %mul3A_1 : i32
    %mul3A_3 = arith.constant 512 : i32
    %mul3A_4 = arith.muli %add3A, %mul3A_3 : i32
    %add3A_5 = arith.constant 0 : i32
    %add3A_6 = arith.addi %mul3A_2, %add3A_5 : i32
    "tpu.region"() ({
      %run_scoped3A = tpu.sem_alloc : memref<!tpu.dma_semaphore, #tpu.memory_space<semaphore_mem>>
      %dma_start3A_18 = arith.constant 0 : i32
      %dma_start3A_19 = tpu.memref_slice %arg5[%dma_start3A_18] : memref<216xi32, #tpu.memory_space<vmem>> -> memref<200xi32, #tpu.memory_space<vmem>>
      %dma_start3A_20 = tpu.memref_slice %arg2[%add3A_6] : memref<819200xi32, #tpu.memory_space<hbm>> -> memref<200xi32, #tpu.memory_space<hbm>>
      %dma_start3A_21 = arith.constant 0 : i32
      %dma_start3A_22 = tpu.memref_slice %arg5[%dma_start3A_21] : memref<216xi32, #tpu.memory_space<vmem>> -> memref<200xi32, #tpu.memory_space<vmem>>
      %dma_start3A_23 = tpu.memref_slice %arg2[%add3A_6] : memref<819200xi32, #tpu.memory_space<hbm>> -> memref<200xi32, #tpu.memory_space<hbm>>
      tpu.enqueue_dma source(%dma_start3A_23 : memref<200xi32, #tpu.memory_space<hbm>>) target(%dma_start3A_22 : memref<200xi32, #tpu.memory_space<vmem>>) target_semaphore(%run_scoped3A : memref<!tpu.dma_semaphore, #tpu.memory_space<semaphore_mem>>)
      %dma_wait3A_24 = arith.constant 0 : i32
      %dma_wait3A_25 = tpu.memref_slice %arg5[%dma_wait3A_24] : memref<216xi32, #tpu.memory_space<vmem>> -> memref<200xi32, #tpu.memory_space<vmem>>
      %dma_wait3A_26 = tpu.memref_slice %arg2[%add3A_6] : memref<819200xi32, #tpu.memory_space<hbm>> -> memref<200xi32, #tpu.memory_space<hbm>>
      %dma_wait3A_27 = arith.constant 0 : i32
      %dma_wait3A_28 = tpu.memref_slice %arg5[%dma_wait3A_27] : memref<216xi32, #tpu.memory_space<vmem>> -> memref<200xi32, #tpu.memory_space<vmem>>
      %dma_wait3A_29 = tpu.memref_slice %arg2[%add3A_6] : memref<819200xi32, #tpu.memory_space<hbm>> -> memref<200xi32, #tpu.memory_space<hbm>>
      tpu.wait_dma2 semaphore(%run_scoped3A : memref<!tpu.dma_semaphore, #tpu.memory_space<semaphore_mem>>) src(%dma_wait3A_29 : memref<200xi32, #tpu.memory_space<hbm>>) dst(%dma_wait3A_28 : memref<200xi32, #tpu.memory_space<vmem>>)
      tpu.yield
    }) : () -> ()
    %parallel_loop3A = arith.constant 0 : i32
    %parallel_loop3A_7 = arith.constant 13 : i32
    %parallel_loop3A_8 = arith.constant 1 : i32
    scf.for %parallel_loop3A_18 = %parallel_loop3A to %parallel_loop3A_7 step %parallel_loop3A_8  : i32 {
      %parallel_loop3A_19 = arith.constant 16 : i32
      %parallel_loop3A_20 = arith.muli %parallel_loop3A_18, %parallel_loop3A_19 : i32
      %parallel_loop3A_21 = arith.constant 184 : i32
      %parallel_loop3A_22 = arith.minsi %parallel_loop3A_20, %parallel_loop3A_21 : i32
      %parallel_loop3A_23 = arith.index_cast %parallel_loop3A_22 : i32 to index
      %parallel_loop3A_24 = tpu.vector_load %arg5[%parallel_loop3A_23] {strides = array<i32>} : memref<216xi32, #tpu.memory_space<vmem>>, vector<16xi32>,
      %parallel_loop3A_25 = vector.shape_cast %parallel_loop3A_24 : vector<16xi32> to vector<16xi32>
      %parallel_loop3A_26 = arith.constant 2 : i32
      %parallel_loop3A_27 = vector.broadcast %parallel_loop3A_26 : i32 to vector<16xi32>
      %parallel_loop3A_28 = arith.shrui %parallel_loop3A_25, %parallel_loop3A_27 : vector<16xi32>
      %parallel_loop3A_29 = arith.index_cast %parallel_loop3A_22 : i32 to index
      %parallel_loop3A_30 = tpu.vector_load %arg7[%parallel_loop3A_29] {strides = array<i32>} : memref<200xi32, #tpu.memory_space<vmem>>, vector<16xi32>,
      %parallel_loop3A_31 = vector.shape_cast %parallel_loop3A_30 : vector<16xi32> to vector<16xi32>
      %parallel_loop3A_32 = vector.shape_cast %parallel_loop3A_28 : vector<16xi32> to vector<16xi32>
      tpu.vector_store %arg7[%parallel_loop3A_29], %parallel_loop3A_32 {strides = array<i32>} : memref<200xi32, #tpu.memory_space<vmem>>, vector<16xi32>,
    } {sc.loop_unroll_factor = 4 : i64, sc.parallel_access}
    %dma_start3A = arith.constant 0 : i32
    %dma_start3A_9 = arith.constant 0 : i32
    %dma_start3A_10 = tpu.memref_slice %arg3[%dma_start3A, %dma_start3A_9] : memref<250000x128xi32, #tpu.memory_space<hbm>> -> memref<250000x128xi32, #tpu.memory_space<hbm>>
    tpu.enqueue_indirect_dma source(%dma_start3A_10 : memref<250000x128xi32, #tpu.memory_space<hbm>>) target(%arg8 : memref<200x128xi32, #tpu.memory_space<vmem>>) offsets(%arg7 : memref<200xi32, #tpu.memory_space<vmem>>) semaphore(%arg11 : memref<!tpu.dma_semaphore, #tpu.memory_space<semaphore_mem>>)
    %scan3A = arith.constant 0 : i32
    %scan3A_11 = arith.constant 0 : i32
    %scan3A_12 = arith.constant 64 : i32
    %scan3A_13 = arith.addi %scan3A_11, %scan3A_12 : i32
    %scan3A_14 = arith.constant 1 : i32
    scf.for %scan3A_18 = %scan3A_11 to %scan3A_13 step %scan3A_14  : i32 {
      %mul3A_19 = arith.constant 2 : i32
      %mul3A_20 = arith.muli %mul3A_19, %scan3A_18 : i32
      %add3A_21 = arith.constant 0 : i32
      %add3A_22 = arith.addi %mul3A_20, %add3A_21 : i32
      %dma_wait3A_23 = arith.constant 0 : i32
      %dma_wait3A_24 = arith.constant 0 : i32
      %dma_wait3A_25 = tpu.memref_slice %arg3[%dma_wait3A_23, %dma_wait3A_24] : memref<250000x128xi32, #tpu.memory_space<hbm>> -> memref<250000x128xi32, #tpu.memory_space<hbm>>
      tpu.wait_indirect_dma semaphore(%arg11 : memref<!tpu.dma_semaphore, #tpu.memory_space<semaphore_mem>>) src(%dma_wait3A_25 : memref<250000x128xi32, #tpu.memory_space<hbm>>) dst(%arg8 : memref<200x128xi32, #tpu.memory_space<vmem>>)
      %add3A_26 = arith.constant 1 : i32
      %add3A_27 = arith.addi %add3A_22, %add3A_26 : i32
      %min3A = arith.constant 127 : i32
      %min3A_28 = arith.minsi %add3A_27, %min3A : i32
      %mul3A_29 = arith.constant 200 : i32
      %mul3A_30 = arith.muli %min3A_28, %mul3A_29 : i32
      %add3A_31 = arith.addi %mul3A_2, %mul3A_30 : i32
      "tpu.region"() ({
        %run_scoped3A = tpu.sem_alloc : memref<!tpu.dma_semaphore, #tpu.memory_space<semaphore_mem>>
        %dma_start3A_86 = arith.constant 0 : i32
        %dma_start3A_87 = tpu.memref_slice %arg6[%dma_start3A_86] : memref<216xi32, #tpu.memory_space<vmem>> -> memref<200xi32, #tpu.memory_space<vmem>>
        %dma_start3A_88 = tpu.memref_slice %arg2[%add3A_31] : memref<819200xi32, #tpu.memory_space<hbm>> -> memref<200xi32, #tpu.memory_space<hbm>>
        %dma_start3A_89 = arith.constant 0 : i32
        %dma_start3A_90 = tpu.memref_slice %arg6[%dma_start3A_89] : memref<216xi32, #tpu.memory_space<vmem>> -> memref<200xi32, #tpu.memory_space<vmem>>
        %dma_start3A_91 = tpu.memref_slice %arg2[%add3A_31] : memref<819200xi32, #tpu.memory_space<hbm>> -> memref<200xi32, #tpu.memory_space<hbm>>
        tpu.enqueue_dma source(%dma_start3A_91 : memref<200xi32, #tpu.memory_space<hbm>>) target(%dma_start3A_90 : memref<200xi32, #tpu.memory_space<vmem>>) target_semaphore(%run_scoped3A : memref<!tpu.dma_semaphore, #tpu.memory_space<semaphore_mem>>)
        %dma_wait3A_92 = arith.constant 0 : i32
        %dma_wait3A_93 = tpu.memref_slice %arg6[%dma_wait3A_92] : memref<216xi32, #tpu.memory_space<vmem>> -> memref<200xi32, #tpu.memory_space<vmem>>
        %dma_wait3A_94 = tpu.memref_slice %arg2[%add3A_31] : memref<819200xi32, #tpu.memory_space<hbm>> -> memref<200xi32, #tpu.memory_space<hbm>>
        %dma_wait3A_95 = arith.constant 0 : i32
        %dma_wait3A_96 = tpu.memref_slice %arg6[%dma_wait3A_95] : memref<216xi32, #tpu.memory_space<vmem>> -> memref<200xi32, #tpu.memory_space<vmem>>
        %dma_wait3A_97 = tpu.memref_slice %arg2[%add3A_31] : memref<819200xi32, #tpu.memory_space<hbm>> -> memref<200xi32, #tpu.memory_space<hbm>>
        tpu.wait_dma2 semaphore(%run_scoped3A : memref<!tpu.dma_semaphore, #tpu.memory_space<semaphore_mem>>) src(%dma_wait3A_97 : memref<200xi32, #tpu.memory_space<hbm>>) dst(%dma_wait3A_96 : memref<200xi32, #tpu.memory_space<vmem>>)
        tpu.yield
      }) : () -> ()
      %parallel_loop3A_32 = arith.constant 0 : i32
      %parallel_loop3A_33 = arith.constant 13 : i32
      %parallel_loop3A_34 = arith.constant 1 : i32
      scf.for %parallel_loop3A_86 = %parallel_loop3A_32 to %parallel_loop3A_33 step %parallel_loop3A_34  : i32 {
        %parallel_loop3A_87 = arith.constant 16 : i32
        %parallel_loop3A_88 = arith.muli %parallel_loop3A_86, %parallel_loop3A_87 : i32
        %parallel_loop3A_89 = arith.constant 184 : i32
        %parallel_loop3A_90 = arith.minsi %parallel_loop3A_88, %parallel_loop3A_89 : i32
        %parallel_loop3A_91 = arith.index_cast %parallel_loop3A_90 : i32 to index
        %parallel_loop3A_92 = tpu.vector_load %arg6[%parallel_loop3A_91] {strides = array<i32>} : memref<216xi32, #tpu.memory_space<vmem>>, vector<16xi32>,
        %parallel_loop3A_93 = vector.shape_cast %parallel_loop3A_92 : vector<16xi32> to vector<16xi32>
        %parallel_loop3A_94 = arith.constant 2 : i32
        %parallel_loop3A_95 = vector.broadcast %parallel_loop3A_94 : i32 to vector<16xi32>
        %parallel_loop3A_96 = arith.shrui %parallel_loop3A_93, %parallel_loop3A_95 : vector<16xi32>
        %parallel_loop3A_97 = arith.index_cast %parallel_loop3A_90 : i32 to index
        %parallel_loop3A_98 = tpu.vector_load %arg7[%parallel_loop3A_97] {strides = array<i32>} : memref<200xi32, #tpu.memory_space<vmem>>, vector<16xi32>,
        %parallel_loop3A_99 = vector.shape_cast %parallel_loop3A_98 : vector<16xi32> to vector<16xi32>
        %parallel_loop3A_100 = vector.shape_cast %parallel_loop3A_96 : vector<16xi32> to vector<16xi32>
        tpu.vector_store %arg7[%parallel_loop3A_97], %parallel_loop3A_100 {strides = array<i32>} : memref<200xi32, #tpu.memory_space<vmem>>, vector<16xi32>,
      } {sc.loop_unroll_factor = 4 : i64, sc.parallel_access}
      %dma_start3A_35 = arith.constant 0 : i32
      %dma_start3A_36 = arith.constant 0 : i32
      %dma_start3A_37 = tpu.memref_slice %arg3[%dma_start3A_35, %dma_start3A_36] : memref<250000x128xi32, #tpu.memory_space<hbm>> -> memref<250000x128xi32, #tpu.memory_space<hbm>>
      tpu.enqueue_indirect_dma source(%dma_start3A_37 : memref<250000x128xi32, #tpu.memory_space<hbm>>) target(%arg9 : memref<200x128xi32, #tpu.memory_space<vmem>>) offsets(%arg7 : memref<200xi32, #tpu.memory_space<vmem>>) semaphore(%arg11 : memref<!tpu.dma_semaphore, #tpu.memory_space<semaphore_mem>>)
      %mul3A_38 = arith.constant 4 : i32
      %mul3A_39 = arith.muli %add3A_22, %mul3A_38 : i32
      %add3A_40 = arith.addi %mul3A_4, %mul3A_39 : i32
      %parallel_loop3A_41 = arith.constant 0 : i32
      %parallel_loop3A_42 = arith.constant 200 : i32
      %parallel_loop3A_43 = arith.constant 1 : i32
      scf.for %parallel_loop3A_86 = %parallel_loop3A_41 to %parallel_loop3A_42 step %parallel_loop3A_43  : i32 {
        %parallel_loop3A_87 = arith.index_cast %parallel_loop3A_86 : i32 to index
        %parallel_loop3A_88 = tpu.vector_load %arg5[%parallel_loop3A_87] {strides = array<i32>} : memref<216xi32, #tpu.memory_space<vmem>>, vector<16xi32>,
        %parallel_loop3A_89 = vector.shape_cast %parallel_loop3A_88 : vector<16xi32> to vector<16xi32>
        %parallel_loop3A_90 = vector.extract_strided_slice %parallel_loop3A_89 {offsets = [0], sizes = [1], strides = [1]} : vector<16xi32> to vector<1xi32>
        %parallel_loop3A_91 = vector.extract %parallel_loop3A_90[0] : i32 from vector<1xi32>
        %parallel_loop3A_92 = arith.constant 3 : i32
        %parallel_loop3A_93 = arith.andi %parallel_loop3A_91, %parallel_loop3A_92 : i32
        %parallel_loop3A_94 = arith.constant 32 : i32
        %parallel_loop3A_95 = arith.muli %parallel_loop3A_93, %parallel_loop3A_94 : i32
        %parallel_loop3A_96 = arith.index_cast %parallel_loop3A_86 : i32 to index
        %parallel_loop3A_97 = arith.index_cast %parallel_loop3A_95 : i32 to index
        %parallel_loop3A_98 = tpu.vector_load %arg8[%parallel_loop3A_96, %parallel_loop3A_97] {strides = array<i32>} : memref<200x128xi32, #tpu.memory_space<vmem>>, vector<1x16xi32>,
        %parallel_loop3A_99 = vector.shape_cast %parallel_loop3A_98 : vector<1x16xi32> to vector<16xi32>
        %parallel_loop3A_100 = arith.constant 16 : i32
        %parallel_loop3A_101 = arith.addi %parallel_loop3A_95, %parallel_loop3A_100 : i32
        %parallel_loop3A_102 = arith.index_cast %parallel_loop3A_86 : i32 to index
        %parallel_loop3A_103 = arith.index_cast %parallel_loop3A_101 : i32 to index
        %parallel_loop3A_104 = tpu.vector_load %arg8[%parallel_loop3A_102, %parallel_loop3A_103] {strides = array<i32>} : memref<200x128xi32, #tpu.memory_space<vmem>>, vector<1x16xi32>,
        %parallel_loop3A_105 = vector.shape_cast %parallel_loop3A_104 : vector<1x16xi32> to vector<16xi32>
        %parallel_loop3A_106 = arith.constant 16 : i32
        %parallel_loop3A_107 = vector.broadcast %parallel_loop3A_106 : i32 to vector<16xi32>
        %parallel_loop3A_108 = arith.shli %parallel_loop3A_99, %parallel_loop3A_107 : vector<16xi32>
        %parallel_loop3A_109 = tpu.bitcast %parallel_loop3A_108 : vector<16xi32> -> vector<16xf32>
        %parallel_loop3A_110 = arith.constant -65536 : i32
        %parallel_loop3A_111 = vector.broadcast %parallel_loop3A_110 : i32 to vector<16xi32>
        %parallel_loop3A_112 = arith.andi %parallel_loop3A_99, %parallel_loop3A_111 : vector<16xi32>
        %parallel_loop3A_113 = tpu.bitcast %parallel_loop3A_112 : vector<16xi32> -> vector<16xf32>
        %parallel_loop3A_114 = arith.constant 16 : i32
        %parallel_loop3A_115 = vector.broadcast %parallel_loop3A_114 : i32 to vector<16xi32>
        %parallel_loop3A_116 = arith.shli %parallel_loop3A_105, %parallel_loop3A_115 : vector<16xi32>
        %parallel_loop3A_117 = tpu.bitcast %parallel_loop3A_116 : vector<16xi32> -> vector<16xf32>
        %parallel_loop3A_118 = arith.constant -65536 : i32
        %parallel_loop3A_119 = vector.broadcast %parallel_loop3A_118 : i32 to vector<16xi32>
        %parallel_loop3A_120 = arith.andi %parallel_loop3A_105, %parallel_loop3A_119 : vector<16xi32>
        %parallel_loop3A_121 = tpu.bitcast %parallel_loop3A_120 : vector<16xi32> -> vector<16xf32>
        %parallel_loop3A_122 = arith.mulf %parallel_loop3A_109, %parallel_loop3A_109 : vector<16xf32>
        %parallel_loop3A_123 = arith.mulf %parallel_loop3A_113, %parallel_loop3A_113 : vector<16xf32>
        %parallel_loop3A_124 = arith.addf %parallel_loop3A_122, %parallel_loop3A_123 : vector<16xf32>
        %parallel_loop3A_125 = arith.mulf %parallel_loop3A_117, %parallel_loop3A_117 : vector<16xf32>
        %parallel_loop3A_126 = arith.addf %parallel_loop3A_124, %parallel_loop3A_125 : vector<16xf32>
        %parallel_loop3A_127 = arith.mulf %parallel_loop3A_121, %parallel_loop3A_121 : vector<16xf32>
        %parallel_loop3A_128 = arith.addf %parallel_loop3A_126, %parallel_loop3A_127 : vector<16xf32>
        %parallel_loop3A_129 = tpu.iota {dimensions = array<i32: 0>} : vector<16xi32>
        %parallel_loop3A_130 = arith.constant 1 : i32
        %parallel_loop3A_131 = vector.broadcast %parallel_loop3A_130 : i32 to vector<16xi32>
        %parallel_loop3A_132 = arith.xori %parallel_loop3A_129, %parallel_loop3A_131 : vector<16xi32>
        %parallel_loop3A_133 = arith.constant 0 : i32
        %parallel_loop3A_134 = vector.broadcast %parallel_loop3A_133 : i32 to vector<16xi32>
        %parallel_loop3A_135 = arith.cmpi slt, %parallel_loop3A_132, %parallel_loop3A_134 : vector<16xi32>
        %parallel_loop3A_136 = arith.constant 16 : i32
        %parallel_loop3A_137 = vector.broadcast %parallel_loop3A_136 : i32 to vector<16xi32>
        %parallel_loop3A_138 = arith.addi %parallel_loop3A_132, %parallel_loop3A_137 : vector<16xi32>
        %parallel_loop3A_139 = arith.select %parallel_loop3A_135, %parallel_loop3A_138, %parallel_loop3A_132 : vector<16xi1>, vector<16xi32>
        %parallel_loop3A_140 = vector.shape_cast %parallel_loop3A_139 : vector<16xi32> to vector<16x1xi32>
        %parallel_loop3A_141 = vector.shape_cast %parallel_loop3A_140 : vector<16x1xi32> to vector<16xi32>
        %parallel_loop3A_142 = tpu.dynamic_gather %parallel_loop3A_128[%parallel_loop3A_141] in [0] : vector<16xf32>, vector<16xi32> -> vector<16xf32>
        %parallel_loop3A_143 = arith.addf %parallel_loop3A_128, %parallel_loop3A_142 : vector<16xf32>
        %parallel_loop3A_144 = tpu.iota {dimensions = array<i32: 0>} : vector<16xi32>
        %parallel_loop3A_145 = arith.constant 2 : i32
        %parallel_loop3A_146 = vector.broadcast %parallel_loop3A_145 : i32 to vector<16xi32>
        %parallel_loop3A_147 = arith.xori %parallel_loop3A_144, %parallel_loop3A_146 : vector<16xi32>
        %parallel_loop3A_148 = arith.constant 0 : i32
        %parallel_loop3A_149 = vector.broadcast %parallel_loop3A_148 : i32 to vector<16xi32>
        %parallel_loop3A_150 = arith.cmpi slt, %parallel_loop3A_147, %parallel_loop3A_149 : vector<16xi32>
        %parallel_loop3A_151 = arith.constant 16 : i32
        %parallel_loop3A_152 = vector.broadcast %parallel_loop3A_151 : i32 to vector<16xi32>
        %parallel_loop3A_153 = arith.addi %parallel_loop3A_147, %parallel_loop3A_152 : vector<16xi32>
        %parallel_loop3A_154 = arith.select %parallel_loop3A_150, %parallel_loop3A_153, %parallel_loop3A_147 : vector<16xi1>, vector<16xi32>
        %parallel_loop3A_155 = vector.shape_cast %parallel_loop3A_154 : vector<16xi32> to vector<16x1xi32>
        %parallel_loop3A_156 = vector.shape_cast %parallel_loop3A_155 : vector<16x1xi32> to vector<16xi32>
        %parallel_loop3A_157 = tpu.dynamic_gather %parallel_loop3A_143[%parallel_loop3A_156] in [0] : vector<16xf32>, vector<16xi32> -> vector<16xf32>
        %parallel_loop3A_158 = arith.addf %parallel_loop3A_143, %parallel_loop3A_157 : vector<16xf32>
        %parallel_loop3A_159 = tpu.iota {dimensions = array<i32: 0>} : vector<16xi32>
        %parallel_loop3A_160 = arith.constant 4 : i32
        %parallel_loop3A_161 = vector.broadcast %parallel_loop3A_160 : i32 to vector<16xi32>
        %parallel_loop3A_162 = arith.xori %parallel_loop3A_159, %parallel_loop3A_161 : vector<16xi32>
        %parallel_loop3A_163 = arith.constant 0 : i32
        %parallel_loop3A_164 = vector.broadcast %parallel_loop3A_163 : i32 to vector<16xi32>
        %parallel_loop3A_165 = arith.cmpi slt, %parallel_loop3A_162, %parallel_loop3A_164 : vector<16xi32>
        %parallel_loop3A_166 = arith.constant 16 : i32
        %parallel_loop3A_167 = vector.broadcast %parallel_loop3A_166 : i32 to vector<16xi32>
        %parallel_loop3A_168 = arith.addi %parallel_loop3A_162, %parallel_loop3A_167 : vector<16xi32>
        %parallel_loop3A_169 = arith.select %parallel_loop3A_165, %parallel_loop3A_168, %parallel_loop3A_162 : vector<16xi1>, vector<16xi32>
        %parallel_loop3A_170 = vector.shape_cast %parallel_loop3A_169 : vector<16xi32> to vector<16x1xi32>
        %parallel_loop3A_171 = vector.shape_cast %parallel_loop3A_170 : vector<16x1xi32> to vector<16xi32>
        %parallel_loop3A_172 = tpu.dynamic_gather %parallel_loop3A_158[%parallel_loop3A_171] in [0] : vector<16xf32>, vector<16xi32> -> vector<16xf32>
        %parallel_loop3A_173 = arith.addf %parallel_loop3A_158, %parallel_loop3A_172 : vector<16xf32>
        %parallel_loop3A_174 = tpu.iota {dimensions = array<i32: 0>} : vector<16xi32>
        %parallel_loop3A_175 = arith.constant 8 : i32
        %parallel_loop3A_176 = vector.broadcast %parallel_loop3A_175 : i32 to vector<16xi32>
        %parallel_loop3A_177 = arith.xori %parallel_loop3A_174, %parallel_loop3A_176 : vector<16xi32>
        %parallel_loop3A_178 = arith.constant 0 : i32
        %parallel_loop3A_179 = vector.broadcast %parallel_loop3A_178 : i32 to vector<16xi32>
        %parallel_loop3A_180 = arith.cmpi slt, %parallel_loop3A_177, %parallel_loop3A_179 : vector<16xi32>
        %parallel_loop3A_181 = arith.constant 16 : i32
        %parallel_loop3A_182 = vector.broadcast %parallel_loop3A_181 : i32 to vector<16xi32>
        %parallel_loop3A_183 = arith.addi %parallel_loop3A_177, %parallel_loop3A_182 : vector<16xi32>
        %parallel_loop3A_184 = arith.select %parallel_loop3A_180, %parallel_loop3A_183, %parallel_loop3A_177 : vector<16xi1>, vector<16xi32>
        %parallel_loop3A_185 = vector.shape_cast %parallel_loop3A_184 : vector<16xi32> to vector<16x1xi32>
        %parallel_loop3A_186 = vector.shape_cast %parallel_loop3A_185 : vector<16x1xi32> to vector<16xi32>
        %parallel_loop3A_187 = tpu.dynamic_gather %parallel_loop3A_173[%parallel_loop3A_186] in [0] : vector<16xf32>, vector<16xi32> -> vector<16xf32>
        %parallel_loop3A_188 = arith.addf %parallel_loop3A_173, %parallel_loop3A_187 : vector<16xf32>
        %parallel_loop3A_189 = arith.constant 1.000000e+00 : f32
        %parallel_loop3A_190 = vector.broadcast %parallel_loop3A_189 : f32 to vector<16xf32>
        %parallel_loop3A_191 = arith.maximumf %parallel_loop3A_188, %parallel_loop3A_190 : vector<16xf32>
        %parallel_loop3A_192 = tpu.bitcast %parallel_loop3A_191 : vector<16xf32> -> vector<16xi32>
        %parallel_loop3A_193 = arith.constant 1 : i32
        %parallel_loop3A_194 = vector.broadcast %parallel_loop3A_193 : i32 to vector<16xi32>
        %parallel_loop3A_195 = arith.shrsi %parallel_loop3A_192, %parallel_loop3A_194 : vector<16xi32>
        %parallel_loop3A_196 = arith.constant 1597463007 : i32
        %parallel_loop3A_197 = vector.broadcast %parallel_loop3A_196 : i32 to vector<16xi32>
        %parallel_loop3A_198 = arith.subi %parallel_loop3A_197, %parallel_loop3A_195 : vector<16xi32>
        %parallel_loop3A_199 = tpu.bitcast %parallel_loop3A_198 : vector<16xi32> -> vector<16xf32>
        %parallel_loop3A_200 = arith.constant 5.000000e-01 : f32
        %parallel_loop3A_201 = vector.broadcast %parallel_loop3A_200 : f32 to vector<16xf32>
        %parallel_loop3A_202 = arith.mulf %parallel_loop3A_201, %parallel_loop3A_191 : vector<16xf32>
        %parallel_loop3A_203 = arith.mulf %parallel_loop3A_202, %parallel_loop3A_199 : vector<16xf32>
        %parallel_loop3A_204 = arith.mulf %parallel_loop3A_203, %parallel_loop3A_199 : vector<16xf32>
        %parallel_loop3A_205 = arith.constant 1.500000e+00 : f32
        %parallel_loop3A_206 = vector.broadcast %parallel_loop3A_205 : f32 to vector<16xf32>
        %parallel_loop3A_207 = arith.subf %parallel_loop3A_206, %parallel_loop3A_204 : vector<16xf32>
        %parallel_loop3A_208 = arith.mulf %parallel_loop3A_199, %parallel_loop3A_207 : vector<16xf32>
        %parallel_loop3A_209 = arith.mulf %parallel_loop3A_202, %parallel_loop3A_208 : vector<16xf32>
        %parallel_loop3A_210 = arith.mulf %parallel_loop3A_209, %parallel_loop3A_208 : vector<16xf32>
        %parallel_loop3A_211 = arith.constant 1.500000e+00 : f32
        %parallel_loop3A_212 = vector.broadcast %parallel_loop3A_211 : f32 to vector<16xf32>
        %parallel_loop3A_213 = arith.subf %parallel_loop3A_212, %parallel_loop3A_210 : vector<16xf32>
        %parallel_loop3A_214 = arith.mulf %parallel_loop3A_208, %parallel_loop3A_213 : vector<16xf32>
        %parallel_loop3A_215 = arith.constant 8.000000e+00 : f32
        %parallel_loop3A_216 = vector.broadcast %parallel_loop3A_215 : f32 to vector<16xf32>
        %parallel_loop3A_217 = arith.mulf %parallel_loop3A_214, %parallel_loop3A_216 : vector<16xf32>
        %parallel_loop3A_218 = arith.mulf %parallel_loop3A_109, %parallel_loop3A_217 : vector<16xf32>
        %parallel_loop3A_219 = arith.index_cast %parallel_loop3A_86 : i32 to index
        %parallel_loop3A_220 = arith.constant 0 : index
        %parallel_loop3A_221 = tpu.vector_load %arg10[%parallel_loop3A_219, %parallel_loop3A_220] {strides = array<i32>} : memref<200x64xf32, #tpu.memory_space<vmem>>, vector<1x16xf32>,
        %parallel_loop3A_222 = vector.shape_cast %parallel_loop3A_221 : vector<1x16xf32> to vector<16xf32>
        %parallel_loop3A_223 = vector.shape_cast %parallel_loop3A_218 : vector<16xf32> to vector<1x16xf32>
        tpu.vector_store %arg10[%parallel_loop3A_219, %parallel_loop3A_220], %parallel_loop3A_223 {strides = array<i32>} : memref<200x64xf32, #tpu.memory_space<vmem>>, vector<1x16xf32>,
        %parallel_loop3A_224 = arith.mulf %parallel_loop3A_113, %parallel_loop3A_217 : vector<16xf32>
        %parallel_loop3A_225 = arith.index_cast %parallel_loop3A_86 : i32 to index
        %parallel_loop3A_226 = arith.constant 16 : index
        %parallel_loop3A_227 = tpu.vector_load %arg10[%parallel_loop3A_225, %parallel_loop3A_226] {strides = array<i32>} : memref<200x64xf32, #tpu.memory_space<vmem>>, vector<1x16xf32>,
        %parallel_loop3A_228 = vector.shape_cast %parallel_loop3A_227 : vector<1x16xf32> to vector<16xf32>
        %parallel_loop3A_229 = vector.shape_cast %parallel_loop3A_224 : vector<16xf32> to vector<1x16xf32>
        tpu.vector_store %arg10[%parallel_loop3A_225, %parallel_loop3A_226], %parallel_loop3A_229 {strides = array<i32>} : memref<200x64xf32, #tpu.memory_space<vmem>>, vector<1x16xf32>,
        %parallel_loop3A_230 = arith.mulf %parallel_loop3A_117, %parallel_loop3A_217 : vector<16xf32>
        %parallel_loop3A_231 = arith.index_cast %parallel_loop3A_86 : i32 to index
        %parallel_loop3A_232 = arith.constant 32 : index
        %parallel_loop3A_233 = tpu.vector_load %arg10[%parallel_loop3A_231, %parallel_loop3A_232] {strides = array<i32>} : memref<200x64xf32, #tpu.memory_space<vmem>>, vector<1x16xf32>,
        %parallel_loop3A_234 = vector.shape_cast %parallel_loop3A_233 : vector<1x16xf32> to vector<16xf32>
        %parallel_loop3A_235 = vector.shape_cast %parallel_loop3A_230 : vector<16xf32> to vector<1x16xf32>
        tpu.vector_store %arg10[%parallel_loop3A_231, %parallel_loop3A_232], %parallel_loop3A_235 {strides = array<i32>} : memref<200x64xf32, #tpu.memory_space<vmem>>, vector<1x16xf32>,
        %parallel_loop3A_236 = arith.mulf %parallel_loop3A_121, %parallel_loop3A_217 : vector<16xf32>
        %parallel_loop3A_237 = arith.index_cast %parallel_loop3A_86 : i32 to index
        %parallel_loop3A_238 = arith.constant 48 : index
        %parallel_loop3A_239 = tpu.vector_load %arg10[%parallel_loop3A_237, %parallel_loop3A_238] {strides = array<i32>} : memref<200x64xf32, #tpu.memory_space<vmem>>, vector<1x16xf32>,
        %parallel_loop3A_240 = vector.shape_cast %parallel_loop3A_239 : vector<1x16xf32> to vector<16xf32>
        %parallel_loop3A_241 = vector.shape_cast %parallel_loop3A_236 : vector<16xf32> to vector<1x16xf32>
        tpu.vector_store %arg10[%parallel_loop3A_237, %parallel_loop3A_238], %parallel_loop3A_241 {strides = array<i32>} : memref<200x64xf32, #tpu.memory_space<vmem>>, vector<1x16xf32>,
      } {sc.loop_unroll_factor = 8 : i64, sc.parallel_access}
      %add3A_44 = arith.constant 0 : i32
      %add3A_45 = arith.addi %add3A_40, %add3A_44 : i32
      "tpu.region"() ({
        %run_scoped3A = tpu.sem_alloc : memref<!tpu.dma_semaphore, #tpu.memory_space<semaphore_mem>>
        %dma_start3A_86 = arith.constant 0 : i32
        %dma_start3A_87 = arith.constant 0 : i32
        %dma_start3A_88 = tpu.memref_slice %arg10[%dma_start3A_86, %dma_start3A_87] : memref<200x64xf32, #tpu.memory_space<vmem>> -> memref<50x64xf32, #tpu.memory_space<vmem>>
        %dma_start3A_89 = arith.constant 0 : i32
        %dma_start3A_90 = arith.constant 0 : i32
        %dma_start3A_91 = tpu.memref_slice %arg4[%add3A_45, %dma_start3A_89, %dma_start3A_90] : memref<16384x50x64xf32, #tpu.memory_space<hbm>> -> memref<1x50x64xf32, #tpu.memory_space<hbm>>
        %dma_start3A_92 = tpu.memref_squeeze %dma_start3A_91 : memref<1x50x64xf32, #tpu.memory_space<hbm>> -> memref<50x64xf32, #tpu.memory_space<hbm>>
        %dma_start3A_93 = arith.constant 0 : i32
        %dma_start3A_94 = arith.constant 0 : i32
        %dma_start3A_95 = tpu.memref_slice %arg4[%add3A_45, %dma_start3A_93, %dma_start3A_94] : memref<16384x50x64xf32, #tpu.memory_space<hbm>> -> memref<1x50x64xf32, #tpu.memory_space<hbm>>
        %dma_start3A_96 = tpu.memref_squeeze %dma_start3A_95 : memref<1x50x64xf32, #tpu.memory_space<hbm>> -> memref<50x64xf32, #tpu.memory_space<hbm>>
        %dma_start3A_97 = arith.constant 0 : i32
        %dma_start3A_98 = arith.constant 0 : i32
        %dma_start3A_99 = tpu.memref_slice %arg10[%dma_start3A_97, %dma_start3A_98] : memref<200x64xf32, #tpu.memory_space<vmem>> -> memref<50x64xf32, #tpu.memory_space<vmem>>
        tpu.enqueue_dma source(%dma_start3A_99 : memref<50x64xf32, #tpu.memory_space<vmem>>) target(%dma_start3A_96 : memref<50x64xf32, #tpu.memory_space<hbm>>) target_semaphore(%run_scoped3A : memref<!tpu.dma_semaphore, #tpu.memory_space<semaphore_mem>>)
        %dma_wait3A_100 = arith.constant 0 : i32
        %dma_wait3A_101 = arith.constant 0 : i32
        %dma_wait3A_102 = tpu.memref_slice %arg10[%dma_wait3A_100, %dma_wait3A_101] : memref<200x64xf32, #tpu.memory_space<vmem>> -> memref<50x64xf32, #tpu.memory_space<vmem>>
        %dma_wait3A_103 = arith.constant 0 : i32
        %dma_wait3A_104 = arith.constant 0 : i32
        %dma_wait3A_105 = tpu.memref_slice %arg4[%add3A_45, %dma_wait3A_103, %dma_wait3A_104] : memref<16384x50x64xf32, #tpu.memory_space<hbm>> -> memref<1x50x64xf32, #tpu.memory_space<hbm>>
        %dma_wait3A_106 = tpu.memref_squeeze %dma_wait3A_105 : memref<1x50x64xf32, #tpu.memory_space<hbm>> -> memref<50x64xf32, #tpu.memory_space<hbm>>
        %dma_wait3A_107 = arith.constant 0 : i32
        %dma_wait3A_108 = arith.constant 0 : i32
        %dma_wait3A_109 = tpu.memref_slice %arg4[%add3A_45, %dma_wait3A_107, %dma_wait3A_108] : memref<16384x50x64xf32, #tpu.memory_space<hbm>> -> memref<1x50x64xf32, #tpu.memory_space<hbm>>
        %dma_wait3A_110 = tpu.memref_squeeze %dma_wait3A_109 : memref<1x50x64xf32, #tpu.memory_space<hbm>> -> memref<50x64xf32, #tpu.memory_space<hbm>>
        %dma_wait3A_111 = arith.constant 0 : i32
        %dma_wait3A_112 = arith.constant 0 : i32
        %dma_wait3A_113 = tpu.memref_slice %arg10[%dma_wait3A_111, %dma_wait3A_112] : memref<200x64xf32, #tpu.memory_space<vmem>> -> memref<50x64xf32, #tpu.memory_space<vmem>>
        tpu.wait_dma2 semaphore(%run_scoped3A : memref<!tpu.dma_semaphore, #tpu.memory_space<semaphore_mem>>) src(%dma_wait3A_113 : memref<50x64xf32, #tpu.memory_space<vmem>>) dst(%dma_wait3A_110 : memref<50x64xf32, #tpu.memory_space<hbm>>)
        tpu.yield
      }) : () -> ()
      %add3A_46 = arith.constant 1 : i32
      %add3A_47 = arith.addi %add3A_40, %add3A_46 : i32
      "tpu.region"() ({
        %run_scoped3A = tpu.sem_alloc : memref<!tpu.dma_semaphore, #tpu.memory_space<semaphore_mem>>
        %dma_start3A_86 = arith.constant 50 : i32
        %dma_start3A_87 = arith.constant 0 : i32
        %dma_start3A_88 = tpu.memref_slice %arg10[%dma_start3A_86, %dma_start3A_87] : memref<200x64xf32, #tpu.memory_space<vmem>> -> memref<50x64xf32, #tpu.memory_space<vmem>>
        %dma_start3A_89 = arith.constant 0 : i32
        %dma_start3A_90 = arith.constant 0 : i32
        %dma_start3A_91 = tpu.memref_slice %arg4[%add3A_47, %dma_start3A_89, %dma_start3A_90] : memref<16384x50x64xf32, #tpu.memory_space<hbm>> -> memref<1x50x64xf32, #tpu.memory_space<hbm>>
        %dma_start3A_92 = tpu.memref_squeeze %dma_start3A_91 : memref<1x50x64xf32, #tpu.memory_space<hbm>> -> memref<50x64xf32, #tpu.memory_space<hbm>>
        %dma_start3A_93 = arith.constant 0 : i32
        %dma_start3A_94 = arith.constant 0 : i32
        %dma_start3A_95 = tpu.memref_slice %arg4[%add3A_47, %dma_start3A_93, %dma_start3A_94] : memref<16384x50x64xf32, #tpu.memory_space<hbm>> -> memref<1x50x64xf32, #tpu.memory_space<hbm>>
        %dma_start3A_96 = tpu.memref_squeeze %dma_start3A_95 : memref<1x50x64xf32, #tpu.memory_space<hbm>> -> memref<50x64xf32, #tpu.memory_space<hbm>>
        %dma_start3A_97 = arith.constant 50 : i32
        %dma_start3A_98 = arith.constant 0 : i32
        %dma_start3A_99 = tpu.memref_slice %arg10[%dma_start3A_97, %dma_start3A_98] : memref<200x64xf32, #tpu.memory_space<vmem>> -> memref<50x64xf32, #tpu.memory_space<vmem>>
        tpu.enqueue_dma source(%dma_start3A_99 : memref<50x64xf32, #tpu.memory_space<vmem>>) target(%dma_start3A_96 : memref<50x64xf32, #tpu.memory_space<hbm>>) target_semaphore(%run_scoped3A : memref<!tpu.dma_semaphore, #tpu.memory_space<semaphore_mem>>)
        %dma_wait3A_100 = arith.constant 50 : i32
        %dma_wait3A_101 = arith.constant 0 : i32
        %dma_wait3A_102 = tpu.memref_slice %arg10[%dma_wait3A_100, %dma_wait3A_101] : memref<200x64xf32, #tpu.memory_space<vmem>> -> memref<50x64xf32, #tpu.memory_space<vmem>>
        %dma_wait3A_103 = arith.constant 0 : i32
        %dma_wait3A_104 = arith.constant 0 : i32
        %dma_wait3A_105 = tpu.memref_slice %arg4[%add3A_47, %dma_wait3A_103, %dma_wait3A_104] : memref<16384x50x64xf32, #tpu.memory_space<hbm>> -> memref<1x50x64xf32, #tpu.memory_space<hbm>>
        %dma_wait3A_106 = tpu.memref_squeeze %dma_wait3A_105 : memref<1x50x64xf32, #tpu.memory_space<hbm>> -> memref<50x64xf32, #tpu.memory_space<hbm>>
        %dma_wait3A_107 = arith.constant 0 : i32
        %dma_wait3A_108 = arith.constant 0 : i32
        %dma_wait3A_109 = tpu.memref_slice %arg4[%add3A_47, %dma_wait3A_107, %dma_wait3A_108] : memref<16384x50x64xf32, #tpu.memory_space<hbm>> -> memref<1x50x64xf32, #tpu.memory_space<hbm>>
        %dma_wait3A_110 = tpu.memref_squeeze %dma_wait3A_109 : memref<1x50x64xf32, #tpu.memory_space<hbm>> -> memref<50x64xf32, #tpu.memory_space<hbm>>
        %dma_wait3A_111 = arith.constant 50 : i32
        %dma_wait3A_112 = arith.constant 0 : i32
        %dma_wait3A_113 = tpu.memref_slice %arg10[%dma_wait3A_111, %dma_wait3A_112] : memref<200x64xf32, #tpu.memory_space<vmem>> -> memref<50x64xf32, #tpu.memory_space<vmem>>
        tpu.wait_dma2 semaphore(%run_scoped3A : memref<!tpu.dma_semaphore, #tpu.memory_space<semaphore_mem>>) src(%dma_wait3A_113 : memref<50x64xf32, #tpu.memory_space<vmem>>) dst(%dma_wait3A_110 : memref<50x64xf32, #tpu.memory_space<hbm>>)
        tpu.yield
      }) : () -> ()
      %add3A_48 = arith.constant 2 : i32
      %add3A_49 = arith.addi %add3A_40, %add3A_48 : i32
      "tpu.region"() ({
        %run_scoped3A = tpu.sem_alloc : memref<!tpu.dma_semaphore, #tpu.memory_space<semaphore_mem>>
        %dma_start3A_86 = arith.constant 100 : i32
        %dma_start3A_87 = arith.constant 0 : i32
        %dma_start3A_88 = tpu.memref_slice %arg10[%dma_start3A_86, %dma_start3A_87] : memref<200x64xf32, #tpu.memory_space<vmem>> -> memref<50x64xf32, #tpu.memory_space<vmem>>
        %dma_start3A_89 = arith.constant 0 : i32
        %dma_start3A_90 = arith.constant 0 : i32
        %dma_start3A_91 = tpu.memref_slice %arg4[%add3A_49, %dma_start3A_89, %dma_start3A_90] : memref<16384x50x64xf32, #tpu.memory_space<hbm>> -> memref<1x50x64xf32, #tpu.memory_space<hbm>>
        %dma_start3A_92 = tpu.memref_squeeze %dma_start3A_91 : memref<1x50x64xf32, #tpu.memory_space<hbm>> -> memref<50x64xf32, #tpu.memory_space<hbm>>
        %dma_start3A_93 = arith.constant 0 : i32
        %dma_start3A_94 = arith.constant 0 : i32
        %dma_start3A_95 = tpu.memref_slice %arg4[%add3A_49, %dma_start3A_93, %dma_start3A_94] : memref<16384x50x64xf32, #tpu.memory_space<hbm>> -> memref<1x50x64xf32, #tpu.memory_space<hbm>>
        %dma_start3A_96 = tpu.memref_squeeze %dma_start3A_95 : memref<1x50x64xf32, #tpu.memory_space<hbm>> -> memref<50x64xf32, #tpu.memory_space<hbm>>
        %dma_start3A_97 = arith.constant 100 : i32
        %dma_start3A_98 = arith.constant 0 : i32
        %dma_start3A_99 = tpu.memref_slice %arg10[%dma_start3A_97, %dma_start3A_98] : memref<200x64xf32, #tpu.memory_space<vmem>> -> memref<50x64xf32, #tpu.memory_space<vmem>>
        tpu.enqueue_dma source(%dma_start3A_99 : memref<50x64xf32, #tpu.memory_space<vmem>>) target(%dma_start3A_96 : memref<50x64xf32, #tpu.memory_space<hbm>>) target_semaphore(%run_scoped3A : memref<!tpu.dma_semaphore, #tpu.memory_space<semaphore_mem>>)
        %dma_wait3A_100 = arith.constant 100 : i32
        %dma_wait3A_101 = arith.constant 0 : i32
        %dma_wait3A_102 = tpu.memref_slice %arg10[%dma_wait3A_100, %dma_wait3A_101] : memref<200x64xf32, #tpu.memory_space<vmem>> -> memref<50x64xf32, #tpu.memory_space<vmem>>
        %dma_wait3A_103 = arith.constant 0 : i32
        %dma_wait3A_104 = arith.constant 0 : i32
        %dma_wait3A_105 = tpu.memref_slice %arg4[%add3A_49, %dma_wait3A_103, %dma_wait3A_104] : memref<16384x50x64xf32, #tpu.memory_space<hbm>> -> memref<1x50x64xf32, #tpu.memory_space<hbm>>
        %dma_wait3A_106 = tpu.memref_squeeze %dma_wait3A_105 : memref<1x50x64xf32, #tpu.memory_space<hbm>> -> memref<50x64xf32, #tpu.memory_space<hbm>>
        %dma_wait3A_107 = arith.constant 0 : i32
        %dma_wait3A_108 = arith.constant 0 : i32
        %dma_wait3A_109 = tpu.memref_slice %arg4[%add3A_49, %dma_wait3A_107, %dma_wait3A_108] : memref<16384x50x64xf32, #tpu.memory_space<hbm>> -> memref<1x50x64xf32, #tpu.memory_space<hbm>>
        %dma_wait3A_110 = tpu.memref_squeeze %dma_wait3A_109 : memref<1x50x64xf32, #tpu.memory_space<hbm>> -> memref<50x64xf32, #tpu.memory_space<hbm>>
        %dma_wait3A_111 = arith.constant 100 : i32
        %dma_wait3A_112 = arith.constant 0 : i32
        %dma_wait3A_113 = tpu.memref_slice %arg10[%dma_wait3A_111, %dma_wait3A_112] : memref<200x64xf32, #tpu.memory_space<vmem>> -> memref<50x64xf32, #tpu.memory_space<vmem>>
        tpu.wait_dma2 semaphore(%run_scoped3A : memref<!tpu.dma_semaphore, #tpu.memory_space<semaphore_mem>>) src(%dma_wait3A_113 : memref<50x64xf32, #tpu.memory_space<vmem>>) dst(%dma_wait3A_110 : memref<50x64xf32, #tpu.memory_space<hbm>>)
        tpu.yield
      }) : () -> ()
      %add3A_50 = arith.constant 3 : i32
      %add3A_51 = arith.addi %add3A_40, %add3A_50 : i32
      "tpu.region"() ({
        %run_scoped3A = tpu.sem_alloc : memref<!tpu.dma_semaphore, #tpu.memory_space<semaphore_mem>>
        %dma_start3A_86 = arith.constant 150 : i32
        %dma_start3A_87 = arith.constant 0 : i32
        %dma_start3A_88 = tpu.memref_slice %arg10[%dma_start3A_86, %dma_start3A_87] : memref<200x64xf32, #tpu.memory_space<vmem>> -> memref<50x64xf32, #tpu.memory_space<vmem>>
        %dma_start3A_89 = arith.constant 0 : i32
        %dma_start3A_90 = arith.constant 0 : i32
        %dma_start3A_91 = tpu.memref_slice %arg4[%add3A_51, %dma_start3A_89, %dma_start3A_90] : memref<16384x50x64xf32, #tpu.memory_space<hbm>> -> memref<1x50x64xf32, #tpu.memory_space<hbm>>
        %dma_start3A_92 = tpu.memref_squeeze %dma_start3A_91 : memref<1x50x64xf32, #tpu.memory_space<hbm>> -> memref<50x64xf32, #tpu.memory_space<hbm>>
        %dma_start3A_93 = arith.constant 0 : i32
        %dma_start3A_94 = arith.constant 0 : i32
        %dma_start3A_95 = tpu.memref_slice %arg4[%add3A_51, %dma_start3A_93, %dma_start3A_94] : memref<16384x50x64xf32, #tpu.memory_space<hbm>> -> memref<1x50x64xf32, #tpu.memory_space<hbm>>
        %dma_start3A_96 = tpu.memref_squeeze %dma_start3A_95 : memref<1x50x64xf32, #tpu.memory_space<hbm>> -> memref<50x64xf32, #tpu.memory_space<hbm>>
        %dma_start3A_97 = arith.constant 150 : i32
        %dma_start3A_98 = arith.constant 0 : i32
        %dma_start3A_99 = tpu.memref_slice %arg10[%dma_start3A_97, %dma_start3A_98] : memref<200x64xf32, #tpu.memory_space<vmem>> -> memref<50x64xf32, #tpu.memory_space<vmem>>
        tpu.enqueue_dma source(%dma_start3A_99 : memref<50x64xf32, #tpu.memory_space<vmem>>) target(%dma_start3A_96 : memref<50x64xf32, #tpu.memory_space<hbm>>) target_semaphore(%run_scoped3A : memref<!tpu.dma_semaphore, #tpu.memory_space<semaphore_mem>>)
        %dma_wait3A_100 = arith.constant 150 : i32
        %dma_wait3A_101 = arith.constant 0 : i32
        %dma_wait3A_102 = tpu.memref_slice %arg10[%dma_wait3A_100, %dma_wait3A_101] : memref<200x64xf32, #tpu.memory_space<vmem>> -> memref<50x64xf32, #tpu.memory_space<vmem>>
        %dma_wait3A_103 = arith.constant 0 : i32
        %dma_wait3A_104 = arith.constant 0 : i32
        %dma_wait3A_105 = tpu.memref_slice %arg4[%add3A_51, %dma_wait3A_103, %dma_wait3A_104] : memref<16384x50x64xf32, #tpu.memory_space<hbm>> -> memref<1x50x64xf32, #tpu.memory_space<hbm>>
        %dma_wait3A_106 = tpu.memref_squeeze %dma_wait3A_105 : memref<1x50x64xf32, #tpu.memory_space<hbm>> -> memref<50x64xf32, #tpu.memory_space<hbm>>
        %dma_wait3A_107 = arith.constant 0 : i32
        %dma_wait3A_108 = arith.constant 0 : i32
        %dma_wait3A_109 = tpu.memref_slice %arg4[%add3A_51, %dma_wait3A_107, %dma_wait3A_108] : memref<16384x50x64xf32, #tpu.memory_space<hbm>> -> memref<1x50x64xf32, #tpu.memory_space<hbm>>
        %dma_wait3A_110 = tpu.memref_squeeze %dma_wait3A_109 : memref<1x50x64xf32, #tpu.memory_space<hbm>> -> memref<50x64xf32, #tpu.memory_space<hbm>>
        %dma_wait3A_111 = arith.constant 150 : i32
        %dma_wait3A_112 = arith.constant 0 : i32
        %dma_wait3A_113 = tpu.memref_slice %arg10[%dma_wait3A_111, %dma_wait3A_112] : memref<200x64xf32, #tpu.memory_space<vmem>> -> memref<50x64xf32, #tpu.memory_space<vmem>>
        tpu.wait_dma2 semaphore(%run_scoped3A : memref<!tpu.dma_semaphore, #tpu.memory_space<semaphore_mem>>) src(%dma_wait3A_113 : memref<50x64xf32, #tpu.memory_space<vmem>>) dst(%dma_wait3A_110 : memref<50x64xf32, #tpu.memory_space<hbm>>)
        tpu.yield
      }) : () -> ()
      %mul3A_52 = arith.constant 2 : i32
      %mul3A_53 = arith.muli %mul3A_52, %scan3A_18 : i32
      %add3A_54 = arith.constant 1 : i32
      %add3A_55 = arith.addi %mul3A_53, %add3A_54 : i32
      %dma_wait3A_56 = arith.constant 0 : i32
      %dma_wait3A_57 = arith.constant 0 : i32
      %dma_wait3A_58 = tpu.memref_slice %arg3[%dma_wait3A_56, %dma_wait3A_57] : memref<250000x128xi32, #tpu.memory_space<hbm>> -> memref<250000x128xi32, #tpu.memory_space<hbm>>
      tpu.wait_indirect_dma semaphore(%arg11 : memref<!tpu.dma_semaphore, #tpu.memory_space<semaphore_mem>>) src(%dma_wait3A_58 : memref<250000x128xi32, #tpu.memory_space<hbm>>) dst(%arg9 : memref<200x128xi32, #tpu.memory_space<vmem>>)
      %add3A_59 = arith.constant 1 : i32
      %add3A_60 = arith.addi %add3A_55, %add3A_59 : i32
      %min3A_61 = arith.constant 127 : i32
      %min3A_62 = arith.minsi %add3A_60, %min3A_61 : i32
      %mul3A_63 = arith.constant 200 : i32
      %mul3A_64 = arith.muli %min3A_62, %mul3A_63 : i32
      %add3A_65 = arith.addi %mul3A_2, %mul3A_64 : i32
      "tpu.region"() ({
        %run_scoped3A = tpu.sem_alloc : memref<!tpu.dma_semaphore, #tpu.memory_space<semaphore_mem>>
        %dma_start3A_86 = arith.constant 0 : i32
        %dma_start3A_87 = tpu.memref_slice %arg5[%dma_start3A_86] : memref<216xi32, #tpu.memory_space<vmem>> -> memref<200xi32, #tpu.memory_space<vmem>>
        %dma_start3A_88 = tpu.memref_slice %arg2[%add3A_65] : memref<819200xi32, #tpu.memory_space<hbm>> -> memref<200xi32, #tpu.memory_space<hbm>>
        %dma_start3A_89 = arith.constant 0 : i32
        %dma_start3A_90 = tpu.memref_slice %arg5[%dma_start3A_89] : memref<216xi32, #tpu.memory_space<vmem>> -> memref<200xi32, #tpu.memory_space<vmem>>
        %dma_start3A_91 = tpu.memref_slice %arg2[%add3A_65] : memref<819200xi32, #tpu.memory_space<hbm>> -> memref<200xi32, #tpu.memory_space<hbm>>
        tpu.enqueue_dma source(%dma_start3A_91 : memref<200xi32, #tpu.memory_space<hbm>>) target(%dma_start3A_90 : memref<200xi32, #tpu.memory_space<vmem>>) target_semaphore(%run_scoped3A : memref<!tpu.dma_semaphore, #tpu.memory_space<semaphore_mem>>)
        %dma_wait3A_92 = arith.constant 0 : i32
        %dma_wait3A_93 = tpu.memref_slice %arg5[%dma_wait3A_92] : memref<216xi32, #tpu.memory_space<vmem>> -> memref<200xi32, #tpu.memory_space<vmem>>
        %dma_wait3A_94 = tpu.memref_slice %arg2[%add3A_65] : memref<819200xi32, #tpu.memory_space<hbm>> -> memref<200xi32, #tpu.memory_space<hbm>>
        %dma_wait3A_95 = arith.constant 0 : i32
        %dma_wait3A_96 = tpu.memref_slice %arg5[%dma_wait3A_95] : memref<216xi32, #tpu.memory_space<vmem>> -> memref<200xi32, #tpu.memory_space<vmem>>
        %dma_wait3A_97 = tpu.memref_slice %arg2[%add3A_65] : memref<819200xi32, #tpu.memory_space<hbm>> -> memref<200xi32, #tpu.memory_space<hbm>>
        tpu.wait_dma2 semaphore(%run_scoped3A : memref<!tpu.dma_semaphore, #tpu.memory_space<semaphore_mem>>) src(%dma_wait3A_97 : memref<200xi32, #tpu.memory_space<hbm>>) dst(%dma_wait3A_96 : memref<200xi32, #tpu.memory_space<vmem>>)
        tpu.yield
      }) : () -> ()
      %parallel_loop3A_66 = arith.constant 0 : i32
      %parallel_loop3A_67 = arith.constant 13 : i32
      %parallel_loop3A_68 = arith.constant 1 : i32
      scf.for %parallel_loop3A_86 = %parallel_loop3A_66 to %parallel_loop3A_67 step %parallel_loop3A_68  : i32 {
        %parallel_loop3A_87 = arith.constant 16 : i32
        %parallel_loop3A_88 = arith.muli %parallel_loop3A_86, %parallel_loop3A_87 : i32
        %parallel_loop3A_89 = arith.constant 184 : i32
        %parallel_loop3A_90 = arith.minsi %parallel_loop3A_88, %parallel_loop3A_89 : i32
        %parallel_loop3A_91 = arith.index_cast %parallel_loop3A_90 : i32 to index
        %parallel_loop3A_92 = tpu.vector_load %arg5[%parallel_loop3A_91] {strides = array<i32>} : memref<216xi32, #tpu.memory_space<vmem>>, vector<16xi32>,
        %parallel_loop3A_93 = vector.shape_cast %parallel_loop3A_92 : vector<16xi32> to vector<16xi32>
        %parallel_loop3A_94 = arith.constant 2 : i32
        %parallel_loop3A_95 = vector.broadcast %parallel_loop3A_94 : i32 to vector<16xi32>
        %parallel_loop3A_96 = arith.shrui %parallel_loop3A_93, %parallel_loop3A_95 : vector<16xi32>
        %parallel_loop3A_97 = arith.index_cast %parallel_loop3A_90 : i32 to index
        %parallel_loop3A_98 = tpu.vector_load %arg7[%parallel_loop3A_97] {strides = array<i32>} : memref<200xi32, #tpu.memory_space<vmem>>, vector<16xi32>,
        %parallel_loop3A_99 = vector.shape_cast %parallel_loop3A_98 : vector<16xi32> to vector<16xi32>
        %parallel_loop3A_100 = vector.shape_cast %parallel_loop3A_96 : vector<16xi32> to vector<16xi32>
        tpu.vector_store %arg7[%parallel_loop3A_97], %parallel_loop3A_100 {strides = array<i32>} : memref<200xi32, #tpu.memory_space<vmem>>, vector<16xi32>,
      } {sc.loop_unroll_factor = 4 : i64, sc.parallel_access}
      %dma_start3A_69 = arith.constant 0 : i32
      %dma_start3A_70 = arith.constant 0 : i32
      %dma_start3A_71 = tpu.memref_slice %arg3[%dma_start3A_69, %dma_start3A_70] : memref<250000x128xi32, #tpu.memory_space<hbm>> -> memref<250000x128xi32, #tpu.memory_space<hbm>>
      tpu.enqueue_indirect_dma source(%dma_start3A_71 : memref<250000x128xi32, #tpu.memory_space<hbm>>) target(%arg8 : memref<200x128xi32, #tpu.memory_space<vmem>>) offsets(%arg7 : memref<200xi32, #tpu.memory_space<vmem>>) semaphore(%arg11 : memref<!tpu.dma_semaphore, #tpu.memory_space<semaphore_mem>>)
      %mul3A_72 = arith.constant 4 : i32
      %mul3A_73 = arith.muli %add3A_55, %mul3A_72 : i32
      %add3A_74 = arith.addi %mul3A_4, %mul3A_73 : i32
      %parallel_loop3A_75 = arith.constant 0 : i32
      %parallel_loop3A_76 = arith.constant 200 : i32
      %parallel_loop3A_77 = arith.constant 1 : i32
      scf.for %parallel_loop3A_86 = %parallel_loop3A_75 to %parallel_loop3A_76 step %parallel_loop3A_77  : i32 {
        %parallel_loop3A_87 = arith.index_cast %parallel_loop3A_86 : i32 to index
        %parallel_loop3A_88 = tpu.vector_load %arg6[%parallel_loop3A_87] {strides = array<i32>} : memref<216xi32, #tpu.memory_space<vmem>>, vector<16xi32>,
        %parallel_loop3A_89 = vector.shape_cast %parallel_loop3A_88 : vector<16xi32> to vector<16xi32>
        %parallel_loop3A_90 = vector.extract_strided_slice %parallel_loop3A_89 {offsets = [0], sizes = [1], strides = [1]} : vector<16xi32> to vector<1xi32>
        %parallel_loop3A_91 = vector.extract %parallel_loop3A_90[0] : i32 from vector<1xi32>
        %parallel_loop3A_92 = arith.constant 3 : i32
        %parallel_loop3A_93 = arith.andi %parallel_loop3A_91, %parallel_loop3A_92 : i32
        %parallel_loop3A_94 = arith.constant 32 : i32
        %parallel_loop3A_95 = arith.muli %parallel_loop3A_93, %parallel_loop3A_94 : i32
        %parallel_loop3A_96 = arith.index_cast %parallel_loop3A_86 : i32 to index
        %parallel_loop3A_97 = arith.index_cast %parallel_loop3A_95 : i32 to index
        %parallel_loop3A_98 = tpu.vector_load %arg9[%parallel_loop3A_96, %parallel_loop3A_97] {strides = array<i32>} : memref<200x128xi32, #tpu.memory_space<vmem>>, vector<1x16xi32>,
        %parallel_loop3A_99 = vector.shape_cast %parallel_loop3A_98 : vector<1x16xi32> to vector<16xi32>
        %parallel_loop3A_100 = arith.constant 16 : i32
        %parallel_loop3A_101 = arith.addi %parallel_loop3A_95, %parallel_loop3A_100 : i32
        %parallel_loop3A_102 = arith.index_cast %parallel_loop3A_86 : i32 to index
        %parallel_loop3A_103 = arith.index_cast %parallel_loop3A_101 : i32 to index
        %parallel_loop3A_104 = tpu.vector_load %arg9[%parallel_loop3A_102, %parallel_loop3A_103] {strides = array<i32>} : memref<200x128xi32, #tpu.memory_space<vmem>>, vector<1x16xi32>,
        %parallel_loop3A_105 = vector.shape_cast %parallel_loop3A_104 : vector<1x16xi32> to vector<16xi32>
        %parallel_loop3A_106 = arith.constant 16 : i32
        %parallel_loop3A_107 = vector.broadcast %parallel_loop3A_106 : i32 to vector<16xi32>
        %parallel_loop3A_108 = arith.shli %parallel_loop3A_99, %parallel_loop3A_107 : vector<16xi32>
        %parallel_loop3A_109 = tpu.bitcast %parallel_loop3A_108 : vector<16xi32> -> vector<16xf32>
        %parallel_loop3A_110 = arith.constant -65536 : i32
        %parallel_loop3A_111 = vector.broadcast %parallel_loop3A_110 : i32 to vector<16xi32>
        %parallel_loop3A_112 = arith.andi %parallel_loop3A_99, %parallel_loop3A_111 : vector<16xi32>
        %parallel_loop3A_113 = tpu.bitcast %parallel_loop3A_112 : vector<16xi32> -> vector<16xf32>
        %parallel_loop3A_114 = arith.constant 16 : i32
        %parallel_loop3A_115 = vector.broadcast %parallel_loop3A_114 : i32 to vector<16xi32>
        %parallel_loop3A_116 = arith.shli %parallel_loop3A_105, %parallel_loop3A_115 : vector<16xi32>
        %parallel_loop3A_117 = tpu.bitcast %parallel_loop3A_116 : vector<16xi32> -> vector<16xf32>
        %parallel_loop3A_118 = arith.constant -65536 : i32
        %parallel_loop3A_119 = vector.broadcast %parallel_loop3A_118 : i32 to vector<16xi32>
        %parallel_loop3A_120 = arith.andi %parallel_loop3A_105, %parallel_loop3A_119 : vector<16xi32>
        %parallel_loop3A_121 = tpu.bitcast %parallel_loop3A_120 : vector<16xi32> -> vector<16xf32>
        %parallel_loop3A_122 = arith.mulf %parallel_loop3A_109, %parallel_loop3A_109 : vector<16xf32>
        %parallel_loop3A_123 = arith.mulf %parallel_loop3A_113, %parallel_loop3A_113 : vector<16xf32>
        %parallel_loop3A_124 = arith.addf %parallel_loop3A_122, %parallel_loop3A_123 : vector<16xf32>
        %parallel_loop3A_125 = arith.mulf %parallel_loop3A_117, %parallel_loop3A_117 : vector<16xf32>
        %parallel_loop3A_126 = arith.addf %parallel_loop3A_124, %parallel_loop3A_125 : vector<16xf32>
        %parallel_loop3A_127 = arith.mulf %parallel_loop3A_121, %parallel_loop3A_121 : vector<16xf32>
        %parallel_loop3A_128 = arith.addf %parallel_loop3A_126, %parallel_loop3A_127 : vector<16xf32>
        %parallel_loop3A_129 = tpu.iota {dimensions = array<i32: 0>} : vector<16xi32>
        %parallel_loop3A_130 = arith.constant 1 : i32
        %parallel_loop3A_131 = vector.broadcast %parallel_loop3A_130 : i32 to vector<16xi32>
        %parallel_loop3A_132 = arith.xori %parallel_loop3A_129, %parallel_loop3A_131 : vector<16xi32>
        %parallel_loop3A_133 = arith.constant 0 : i32
        %parallel_loop3A_134 = vector.broadcast %parallel_loop3A_133 : i32 to vector<16xi32>
        %parallel_loop3A_135 = arith.cmpi slt, %parallel_loop3A_132, %parallel_loop3A_134 : vector<16xi32>
        %parallel_loop3A_136 = arith.constant 16 : i32
        %parallel_loop3A_137 = vector.broadcast %parallel_loop3A_136 : i32 to vector<16xi32>
        %parallel_loop3A_138 = arith.addi %parallel_loop3A_132, %parallel_loop3A_137 : vector<16xi32>
        %parallel_loop3A_139 = arith.select %parallel_loop3A_135, %parallel_loop3A_138, %parallel_loop3A_132 : vector<16xi1>, vector<16xi32>
        %parallel_loop3A_140 = vector.shape_cast %parallel_loop3A_139 : vector<16xi32> to vector<16x1xi32>
        %parallel_loop3A_141 = vector.shape_cast %parallel_loop3A_140 : vector<16x1xi32> to vector<16xi32>
        %parallel_loop3A_142 = tpu.dynamic_gather %parallel_loop3A_128[%parallel_loop3A_141] in [0] : vector<16xf32>, vector<16xi32> -> vector<16xf32>
        %parallel_loop3A_143 = arith.addf %parallel_loop3A_128, %parallel_loop3A_142 : vector<16xf32>
        %parallel_loop3A_144 = tpu.iota {dimensions = array<i32: 0>} : vector<16xi32>
        %parallel_loop3A_145 = arith.constant 2 : i32
        %parallel_loop3A_146 = vector.broadcast %parallel_loop3A_145 : i32 to vector<16xi32>
        %parallel_loop3A_147 = arith.xori %parallel_loop3A_144, %parallel_loop3A_146 : vector<16xi32>
        %parallel_loop3A_148 = arith.constant 0 : i32
        %parallel_loop3A_149 = vector.broadcast %parallel_loop3A_148 : i32 to vector<16xi32>
        %parallel_loop3A_150 = arith.cmpi slt, %parallel_loop3A_147, %parallel_loop3A_149 : vector<16xi32>
        %parallel_loop3A_151 = arith.constant 16 : i32
        %parallel_loop3A_152 = vector.broadcast %parallel_loop3A_151 : i32 to vector<16xi32>
        %parallel_loop3A_153 = arith.addi %parallel_loop3A_147, %parallel_loop3A_152 : vector<16xi32>
        %parallel_loop3A_154 = arith.select %parallel_loop3A_150, %parallel_loop3A_153, %parallel_loop3A_147 : vector<16xi1>, vector<16xi32>
        %parallel_loop3A_155 = vector.shape_cast %parallel_loop3A_154 : vector<16xi32> to vector<16x1xi32>
        %parallel_loop3A_156 = vector.shape_cast %parallel_loop3A_155 : vector<16x1xi32> to vector<16xi32>
        %parallel_loop3A_157 = tpu.dynamic_gather %parallel_loop3A_143[%parallel_loop3A_156] in [0] : vector<16xf32>, vector<16xi32> -> vector<16xf32>
        %parallel_loop3A_158 = arith.addf %parallel_loop3A_143, %parallel_loop3A_157 : vector<16xf32>
        %parallel_loop3A_159 = tpu.iota {dimensions = array<i32: 0>} : vector<16xi32>
        %parallel_loop3A_160 = arith.constant 4 : i32
        %parallel_loop3A_161 = vector.broadcast %parallel_loop3A_160 : i32 to vector<16xi32>
        %parallel_loop3A_162 = arith.xori %parallel_loop3A_159, %parallel_loop3A_161 : vector<16xi32>
        %parallel_loop3A_163 = arith.constant 0 : i32
        %parallel_loop3A_164 = vector.broadcast %parallel_loop3A_163 : i32 to vector<16xi32>
        %parallel_loop3A_165 = arith.cmpi slt, %parallel_loop3A_162, %parallel_loop3A_164 : vector<16xi32>
        %parallel_loop3A_166 = arith.constant 16 : i32
        %parallel_loop3A_167 = vector.broadcast %parallel_loop3A_166 : i32 to vector<16xi32>
        %parallel_loop3A_168 = arith.addi %parallel_loop3A_162, %parallel_loop3A_167 : vector<16xi32>
        %parallel_loop3A_169 = arith.select %parallel_loop3A_165, %parallel_loop3A_168, %parallel_loop3A_162 : vector<16xi1>, vector<16xi32>
        %parallel_loop3A_170 = vector.shape_cast %parallel_loop3A_169 : vector<16xi32> to vector<16x1xi32>
        %parallel_loop3A_171 = vector.shape_cast %parallel_loop3A_170 : vector<16x1xi32> to vector<16xi32>
        %parallel_loop3A_172 = tpu.dynamic_gather %parallel_loop3A_158[%parallel_loop3A_171] in [0] : vector<16xf32>, vector<16xi32> -> vector<16xf32>
        %parallel_loop3A_173 = arith.addf %parallel_loop3A_158, %parallel_loop3A_172 : vector<16xf32>
        %parallel_loop3A_174 = tpu.iota {dimensions = array<i32: 0>} : vector<16xi32>
        %parallel_loop3A_175 = arith.constant 8 : i32
        %parallel_loop3A_176 = vector.broadcast %parallel_loop3A_175 : i32 to vector<16xi32>
        %parallel_loop3A_177 = arith.xori %parallel_loop3A_174, %parallel_loop3A_176 : vector<16xi32>
        %parallel_loop3A_178 = arith.constant 0 : i32
        %parallel_loop3A_179 = vector.broadcast %parallel_loop3A_178 : i32 to vector<16xi32>
        %parallel_loop3A_180 = arith.cmpi slt, %parallel_loop3A_177, %parallel_loop3A_179 : vector<16xi32>
        %parallel_loop3A_181 = arith.constant 16 : i32
        %parallel_loop3A_182 = vector.broadcast %parallel_loop3A_181 : i32 to vector<16xi32>
        %parallel_loop3A_183 = arith.addi %parallel_loop3A_177, %parallel_loop3A_182 : vector<16xi32>
        %parallel_loop3A_184 = arith.select %parallel_loop3A_180, %parallel_loop3A_183, %parallel_loop3A_177 : vector<16xi1>, vector<16xi32>
        %parallel_loop3A_185 = vector.shape_cast %parallel_loop3A_184 : vector<16xi32> to vector<16x1xi32>
        %parallel_loop3A_186 = vector.shape_cast %parallel_loop3A_185 : vector<16x1xi32> to vector<16xi32>
        %parallel_loop3A_187 = tpu.dynamic_gather %parallel_loop3A_173[%parallel_loop3A_186] in [0] : vector<16xf32>, vector<16xi32> -> vector<16xf32>
        %parallel_loop3A_188 = arith.addf %parallel_loop3A_173, %parallel_loop3A_187 : vector<16xf32>
        %parallel_loop3A_189 = arith.constant 1.000000e+00 : f32
        %parallel_loop3A_190 = vector.broadcast %parallel_loop3A_189 : f32 to vector<16xf32>
        %parallel_loop3A_191 = arith.maximumf %parallel_loop3A_188, %parallel_loop3A_190 : vector<16xf32>
        %parallel_loop3A_192 = tpu.bitcast %parallel_loop3A_191 : vector<16xf32> -> vector<16xi32>
        %parallel_loop3A_193 = arith.constant 1 : i32
        %parallel_loop3A_194 = vector.broadcast %parallel_loop3A_193 : i32 to vector<16xi32>
        %parallel_loop3A_195 = arith.shrsi %parallel_loop3A_192, %parallel_loop3A_194 : vector<16xi32>
        %parallel_loop3A_196 = arith.constant 1597463007 : i32
        %parallel_loop3A_197 = vector.broadcast %parallel_loop3A_196 : i32 to vector<16xi32>
        %parallel_loop3A_198 = arith.subi %parallel_loop3A_197, %parallel_loop3A_195 : vector<16xi32>
        %parallel_loop3A_199 = tpu.bitcast %parallel_loop3A_198 : vector<16xi32> -> vector<16xf32>
        %parallel_loop3A_200 = arith.constant 5.000000e-01 : f32
        %parallel_loop3A_201 = vector.broadcast %parallel_loop3A_200 : f32 to vector<16xf32>
        %parallel_loop3A_202 = arith.mulf %parallel_loop3A_201, %parallel_loop3A_191 : vector<16xf32>
        %parallel_loop3A_203 = arith.mulf %parallel_loop3A_202, %parallel_loop3A_199 : vector<16xf32>
        %parallel_loop3A_204 = arith.mulf %parallel_loop3A_203, %parallel_loop3A_199 : vector<16xf32>
        %parallel_loop3A_205 = arith.constant 1.500000e+00 : f32
        %parallel_loop3A_206 = vector.broadcast %parallel_loop3A_205 : f32 to vector<16xf32>
        %parallel_loop3A_207 = arith.subf %parallel_loop3A_206, %parallel_loop3A_204 : vector<16xf32>
        %parallel_loop3A_208 = arith.mulf %parallel_loop3A_199, %parallel_loop3A_207 : vector<16xf32>
        %parallel_loop3A_209 = arith.mulf %parallel_loop3A_202, %parallel_loop3A_208 : vector<16xf32>
        %parallel_loop3A_210 = arith.mulf %parallel_loop3A_209, %parallel_loop3A_208 : vector<16xf32>
        %parallel_loop3A_211 = arith.constant 1.500000e+00 : f32
        %parallel_loop3A_212 = vector.broadcast %parallel_loop3A_211 : f32 to vector<16xf32>
        %parallel_loop3A_213 = arith.subf %parallel_loop3A_212, %parallel_loop3A_210 : vector<16xf32>
        %parallel_loop3A_214 = arith.mulf %parallel_loop3A_208, %parallel_loop3A_213 : vector<16xf32>
        %parallel_loop3A_215 = arith.constant 8.000000e+00 : f32
        %parallel_loop3A_216 = vector.broadcast %parallel_loop3A_215 : f32 to vector<16xf32>
        %parallel_loop3A_217 = arith.mulf %parallel_loop3A_214, %parallel_loop3A_216 : vector<16xf32>
        %parallel_loop3A_218 = arith.mulf %parallel_loop3A_109, %parallel_loop3A_217 : vector<16xf32>
        %parallel_loop3A_219 = arith.index_cast %parallel_loop3A_86 : i32 to index
        %parallel_loop3A_220 = arith.constant 0 : index
        %parallel_loop3A_221 = tpu.vector_load %arg10[%parallel_loop3A_219, %parallel_loop3A_220] {strides = array<i32>} : memref<200x64xf32, #tpu.memory_space<vmem>>, vector<1x16xf32>,
        %parallel_loop3A_222 = vector.shape_cast %parallel_loop3A_221 : vector<1x16xf32> to vector<16xf32>
        %parallel_loop3A_223 = vector.shape_cast %parallel_loop3A_218 : vector<16xf32> to vector<1x16xf32>
        tpu.vector_store %arg10[%parallel_loop3A_219, %parallel_loop3A_220], %parallel_loop3A_223 {strides = array<i32>} : memref<200x64xf32, #tpu.memory_space<vmem>>, vector<1x16xf32>,
        %parallel_loop3A_224 = arith.mulf %parallel_loop3A_113, %parallel_loop3A_217 : vector<16xf32>
        %parallel_loop3A_225 = arith.index_cast %parallel_loop3A_86 : i32 to index
        %parallel_loop3A_226 = arith.constant 16 : index
        %parallel_loop3A_227 = tpu.vector_load %arg10[%parallel_loop3A_225, %parallel_loop3A_226] {strides = array<i32>} : memref<200x64xf32, #tpu.memory_space<vmem>>, vector<1x16xf32>,
        %parallel_loop3A_228 = vector.shape_cast %parallel_loop3A_227 : vector<1x16xf32> to vector<16xf32>
        %parallel_loop3A_229 = vector.shape_cast %parallel_loop3A_224 : vector<16xf32> to vector<1x16xf32>
        tpu.vector_store %arg10[%parallel_loop3A_225, %parallel_loop3A_226], %parallel_loop3A_229 {strides = array<i32>} : memref<200x64xf32, #tpu.memory_space<vmem>>, vector<1x16xf32>,
        %parallel_loop3A_230 = arith.mulf %parallel_loop3A_117, %parallel_loop3A_217 : vector<16xf32>
        %parallel_loop3A_231 = arith.index_cast %parallel_loop3A_86 : i32 to index
        %parallel_loop3A_232 = arith.constant 32 : index
        %parallel_loop3A_233 = tpu.vector_load %arg10[%parallel_loop3A_231, %parallel_loop3A_232] {strides = array<i32>} : memref<200x64xf32, #tpu.memory_space<vmem>>, vector<1x16xf32>,
        %parallel_loop3A_234 = vector.shape_cast %parallel_loop3A_233 : vector<1x16xf32> to vector<16xf32>
        %parallel_loop3A_235 = vector.shape_cast %parallel_loop3A_230 : vector<16xf32> to vector<1x16xf32>
        tpu.vector_store %arg10[%parallel_loop3A_231, %parallel_loop3A_232], %parallel_loop3A_235 {strides = array<i32>} : memref<200x64xf32, #tpu.memory_space<vmem>>, vector<1x16xf32>,
        %parallel_loop3A_236 = arith.mulf %parallel_loop3A_121, %parallel_loop3A_217 : vector<16xf32>
        %parallel_loop3A_237 = arith.index_cast %parallel_loop3A_86 : i32 to index
        %parallel_loop3A_238 = arith.constant 48 : index
        %parallel_loop3A_239 = tpu.vector_load %arg10[%parallel_loop3A_237, %parallel_loop3A_238] {strides = array<i32>} : memref<200x64xf32, #tpu.memory_space<vmem>>, vector<1x16xf32>,
        %parallel_loop3A_240 = vector.shape_cast %parallel_loop3A_239 : vector<1x16xf32> to vector<16xf32>
        %parallel_loop3A_241 = vector.shape_cast %parallel_loop3A_236 : vector<16xf32> to vector<1x16xf32>
        tpu.vector_store %arg10[%parallel_loop3A_237, %parallel_loop3A_238], %parallel_loop3A_241 {strides = array<i32>} : memref<200x64xf32, #tpu.memory_space<vmem>>, vector<1x16xf32>,
      } {sc.loop_unroll_factor = 8 : i64, sc.parallel_access}
      %add3A_78 = arith.constant 0 : i32
      %add3A_79 = arith.addi %add3A_74, %add3A_78 : i32
      "tpu.region"() ({
        %run_scoped3A = tpu.sem_alloc : memref<!tpu.dma_semaphore, #tpu.memory_space<semaphore_mem>>
        %dma_start3A_86 = arith.constant 0 : i32
        %dma_start3A_87 = arith.constant 0 : i32
        %dma_start3A_88 = tpu.memref_slice %arg10[%dma_start3A_86, %dma_start3A_87] : memref<200x64xf32, #tpu.memory_space<vmem>> -> memref<50x64xf32, #tpu.memory_space<vmem>>
        %dma_start3A_89 = arith.constant 0 : i32
        %dma_start3A_90 = arith.constant 0 : i32
        %dma_start3A_91 = tpu.memref_slice %arg4[%add3A_79, %dma_start3A_89, %dma_start3A_90] : memref<16384x50x64xf32, #tpu.memory_space<hbm>> -> memref<1x50x64xf32, #tpu.memory_space<hbm>>
        %dma_start3A_92 = tpu.memref_squeeze %dma_start3A_91 : memref<1x50x64xf32, #tpu.memory_space<hbm>> -> memref<50x64xf32, #tpu.memory_space<hbm>>
        %dma_start3A_93 = arith.constant 0 : i32
        %dma_start3A_94 = arith.constant 0 : i32
        %dma_start3A_95 = tpu.memref_slice %arg4[%add3A_79, %dma_start3A_93, %dma_start3A_94] : memref<16384x50x64xf32, #tpu.memory_space<hbm>> -> memref<1x50x64xf32, #tpu.memory_space<hbm>>
        %dma_start3A_96 = tpu.memref_squeeze %dma_start3A_95 : memref<1x50x64xf32, #tpu.memory_space<hbm>> -> memref<50x64xf32, #tpu.memory_space<hbm>>
        %dma_start3A_97 = arith.constant 0 : i32
        %dma_start3A_98 = arith.constant 0 : i32
        %dma_start3A_99 = tpu.memref_slice %arg10[%dma_start3A_97, %dma_start3A_98] : memref<200x64xf32, #tpu.memory_space<vmem>> -> memref<50x64xf32, #tpu.memory_space<vmem>>
        tpu.enqueue_dma source(%dma_start3A_99 : memref<50x64xf32, #tpu.memory_space<vmem>>) target(%dma_start3A_96 : memref<50x64xf32, #tpu.memory_space<hbm>>) target_semaphore(%run_scoped3A : memref<!tpu.dma_semaphore, #tpu.memory_space<semaphore_mem>>)
        %dma_wait3A_100 = arith.constant 0 : i32
        %dma_wait3A_101 = arith.constant 0 : i32
        %dma_wait3A_102 = tpu.memref_slice %arg10[%dma_wait3A_100, %dma_wait3A_101] : memref<200x64xf32, #tpu.memory_space<vmem>> -> memref<50x64xf32, #tpu.memory_space<vmem>>
        %dma_wait3A_103 = arith.constant 0 : i32
        %dma_wait3A_104 = arith.constant 0 : i32
        %dma_wait3A_105 = tpu.memref_slice %arg4[%add3A_79, %dma_wait3A_103, %dma_wait3A_104] : memref<16384x50x64xf32, #tpu.memory_space<hbm>> -> memref<1x50x64xf32, #tpu.memory_space<hbm>>
        %dma_wait3A_106 = tpu.memref_squeeze %dma_wait3A_105 : memref<1x50x64xf32, #tpu.memory_space<hbm>> -> memref<50x64xf32, #tpu.memory_space<hbm>>
        %dma_wait3A_107 = arith.constant 0 : i32
        %dma_wait3A_108 = arith.constant 0 : i32
        %dma_wait3A_109 = tpu.memref_slice %arg4[%add3A_79, %dma_wait3A_107, %dma_wait3A_108] : memref<16384x50x64xf32, #tpu.memory_space<hbm>> -> memref<1x50x64xf32, #tpu.memory_space<hbm>>
        %dma_wait3A_110 = tpu.memref_squeeze %dma_wait3A_109 : memref<1x50x64xf32, #tpu.memory_space<hbm>> -> memref<50x64xf32, #tpu.memory_space<hbm>>
        %dma_wait3A_111 = arith.constant 0 : i32
        %dma_wait3A_112 = arith.constant 0 : i32
        %dma_wait3A_113 = tpu.memref_slice %arg10[%dma_wait3A_111, %dma_wait3A_112] : memref<200x64xf32, #tpu.memory_space<vmem>> -> memref<50x64xf32, #tpu.memory_space<vmem>>
        tpu.wait_dma2 semaphore(%run_scoped3A : memref<!tpu.dma_semaphore, #tpu.memory_space<semaphore_mem>>) src(%dma_wait3A_113 : memref<50x64xf32, #tpu.memory_space<vmem>>) dst(%dma_wait3A_110 : memref<50x64xf32, #tpu.memory_space<hbm>>)
        tpu.yield
      }) : () -> ()
      %add3A_80 = arith.constant 1 : i32
      %add3A_81 = arith.addi %add3A_74, %add3A_80 : i32
      "tpu.region"() ({
        %run_scoped3A = tpu.sem_alloc : memref<!tpu.dma_semaphore, #tpu.memory_space<semaphore_mem>>
        %dma_start3A_86 = arith.constant 50 : i32
        %dma_start3A_87 = arith.constant 0 : i32
        %dma_start3A_88 = tpu.memref_slice %arg10[%dma_start3A_86, %dma_start3A_87] : memref<200x64xf32, #tpu.memory_space<vmem>> -> memref<50x64xf32, #tpu.memory_space<vmem>>
        %dma_start3A_89 = arith.constant 0 : i32
        %dma_start3A_90 = arith.constant 0 : i32
        %dma_start3A_91 = tpu.memref_slice %arg4[%add3A_81, %dma_start3A_89, %dma_start3A_90] : memref<16384x50x64xf32, #tpu.memory_space<hbm>> -> memref<1x50x64xf32, #tpu.memory_space<hbm>>
        %dma_start3A_92 = tpu.memref_squeeze %dma_start3A_91 : memref<1x50x64xf32, #tpu.memory_space<hbm>> -> memref<50x64xf32, #tpu.memory_space<hbm>>
        %dma_start3A_93 = arith.constant 0 : i32
        %dma_start3A_94 = arith.constant 0 : i32
        %dma_start3A_95 = tpu.memref_slice %arg4[%add3A_81, %dma_start3A_93, %dma_start3A_94] : memref<16384x50x64xf32, #tpu.memory_space<hbm>> -> memref<1x50x64xf32, #tpu.memory_space<hbm>>
        %dma_start3A_96 = tpu.memref_squeeze %dma_start3A_95 : memref<1x50x64xf32, #tpu.memory_space<hbm>> -> memref<50x64xf32, #tpu.memory_space<hbm>>
        %dma_start3A_97 = arith.constant 50 : i32
        %dma_start3A_98 = arith.constant 0 : i32
        %dma_start3A_99 = tpu.memref_slice %arg10[%dma_start3A_97, %dma_start3A_98] : memref<200x64xf32, #tpu.memory_space<vmem>> -> memref<50x64xf32, #tpu.memory_space<vmem>>
        tpu.enqueue_dma source(%dma_start3A_99 : memref<50x64xf32, #tpu.memory_space<vmem>>) target(%dma_start3A_96 : memref<50x64xf32, #tpu.memory_space<hbm>>) target_semaphore(%run_scoped3A : memref<!tpu.dma_semaphore, #tpu.memory_space<semaphore_mem>>)
        %dma_wait3A_100 = arith.constant 50 : i32
        %dma_wait3A_101 = arith.constant 0 : i32
        %dma_wait3A_102 = tpu.memref_slice %arg10[%dma_wait3A_100, %dma_wait3A_101] : memref<200x64xf32, #tpu.memory_space<vmem>> -> memref<50x64xf32, #tpu.memory_space<vmem>>
        %dma_wait3A_103 = arith.constant 0 : i32
        %dma_wait3A_104 = arith.constant 0 : i32
        %dma_wait3A_105 = tpu.memref_slice %arg4[%add3A_81, %dma_wait3A_103, %dma_wait3A_104] : memref<16384x50x64xf32, #tpu.memory_space<hbm>> -> memref<1x50x64xf32, #tpu.memory_space<hbm>>
        %dma_wait3A_106 = tpu.memref_squeeze %dma_wait3A_105 : memref<1x50x64xf32, #tpu.memory_space<hbm>> -> memref<50x64xf32, #tpu.memory_space<hbm>>
        %dma_wait3A_107 = arith.constant 0 : i32
        %dma_wait3A_108 = arith.constant 0 : i32
        %dma_wait3A_109 = tpu.memref_slice %arg4[%add3A_81, %dma_wait3A_107, %dma_wait3A_108] : memref<16384x50x64xf32, #tpu.memory_space<hbm>> -> memref<1x50x64xf32, #tpu.memory_space<hbm>>
        %dma_wait3A_110 = tpu.memref_squeeze %dma_wait3A_109 : memref<1x50x64xf32, #tpu.memory_space<hbm>> -> memref<50x64xf32, #tpu.memory_space<hbm>>
        %dma_wait3A_111 = arith.constant 50 : i32
        %dma_wait3A_112 = arith.constant 0 : i32
        %dma_wait3A_113 = tpu.memref_slice %arg10[%dma_wait3A_111, %dma_wait3A_112] : memref<200x64xf32, #tpu.memory_space<vmem>> -> memref<50x64xf32, #tpu.memory_space<vmem>>
        tpu.wait_dma2 semaphore(%run_scoped3A : memref<!tpu.dma_semaphore, #tpu.memory_space<semaphore_mem>>) src(%dma_wait3A_113 : memref<50x64xf32, #tpu.memory_space<vmem>>) dst(%dma_wait3A_110 : memref<50x64xf32, #tpu.memory_space<hbm>>)
        tpu.yield
      }) : () -> ()
      %add3A_82 = arith.constant 2 : i32
      %add3A_83 = arith.addi %add3A_74, %add3A_82 : i32
      "tpu.region"() ({
        %run_scoped3A = tpu.sem_alloc : memref<!tpu.dma_semaphore, #tpu.memory_space<semaphore_mem>>
        %dma_start3A_86 = arith.constant 100 : i32
        %dma_start3A_87 = arith.constant 0 : i32
        %dma_start3A_88 = tpu.memref_slice %arg10[%dma_start3A_86, %dma_start3A_87] : memref<200x64xf32, #tpu.memory_space<vmem>> -> memref<50x64xf32, #tpu.memory_space<vmem>>
        %dma_start3A_89 = arith.constant 0 : i32
        %dma_start3A_90 = arith.constant 0 : i32
        %dma_start3A_91 = tpu.memref_slice %arg4[%add3A_83, %dma_start3A_89, %dma_start3A_90] : memref<16384x50x64xf32, #tpu.memory_space<hbm>> -> memref<1x50x64xf32, #tpu.memory_space<hbm>>
        %dma_start3A_92 = tpu.memref_squeeze %dma_start3A_91 : memref<1x50x64xf32, #tpu.memory_space<hbm>> -> memref<50x64xf32, #tpu.memory_space<hbm>>
        %dma_start3A_93 = arith.constant 0 : i32
        %dma_start3A_94 = arith.constant 0 : i32
        %dma_start3A_95 = tpu.memref_slice %arg4[%add3A_83, %dma_start3A_93, %dma_start3A_94] : memref<16384x50x64xf32, #tpu.memory_space<hbm>> -> memref<1x50x64xf32, #tpu.memory_space<hbm>>
        %dma_start3A_96 = tpu.memref_squeeze %dma_start3A_95 : memref<1x50x64xf32, #tpu.memory_space<hbm>> -> memref<50x64xf32, #tpu.memory_space<hbm>>
        %dma_start3A_97 = arith.constant 100 : i32
        %dma_start3A_98 = arith.constant 0 : i32
        %dma_start3A_99 = tpu.memref_slice %arg10[%dma_start3A_97, %dma_start3A_98] : memref<200x64xf32, #tpu.memory_space<vmem>> -> memref<50x64xf32, #tpu.memory_space<vmem>>
        tpu.enqueue_dma source(%dma_start3A_99 : memref<50x64xf32, #tpu.memory_space<vmem>>) target(%dma_start3A_96 : memref<50x64xf32, #tpu.memory_space<hbm>>) target_semaphore(%run_scoped3A : memref<!tpu.dma_semaphore, #tpu.memory_space<semaphore_mem>>)
        %dma_wait3A_100 = arith.constant 100 : i32
        %dma_wait3A_101 = arith.constant 0 : i32
        %dma_wait3A_102 = tpu.memref_slice %arg10[%dma_wait3A_100, %dma_wait3A_101] : memref<200x64xf32, #tpu.memory_space<vmem>> -> memref<50x64xf32, #tpu.memory_space<vmem>>
        %dma_wait3A_103 = arith.constant 0 : i32
        %dma_wait3A_104 = arith.constant 0 : i32
        %dma_wait3A_105 = tpu.memref_slice %arg4[%add3A_83, %dma_wait3A_103, %dma_wait3A_104] : memref<16384x50x64xf32, #tpu.memory_space<hbm>> -> memref<1x50x64xf32, #tpu.memory_space<hbm>>
        %dma_wait3A_106 = tpu.memref_squeeze %dma_wait3A_105 : memref<1x50x64xf32, #tpu.memory_space<hbm>> -> memref<50x64xf32, #tpu.memory_space<hbm>>
        %dma_wait3A_107 = arith.constant 0 : i32
        %dma_wait3A_108 = arith.constant 0 : i32
        %dma_wait3A_109 = tpu.memref_slice %arg4[%add3A_83, %dma_wait3A_107, %dma_wait3A_108] : memref<16384x50x64xf32, #tpu.memory_space<hbm>> -> memref<1x50x64xf32, #tpu.memory_space<hbm>>
        %dma_wait3A_110 = tpu.memref_squeeze %dma_wait3A_109 : memref<1x50x64xf32, #tpu.memory_space<hbm>> -> memref<50x64xf32, #tpu.memory_space<hbm>>
        %dma_wait3A_111 = arith.constant 100 : i32
        %dma_wait3A_112 = arith.constant 0 : i32
        %dma_wait3A_113 = tpu.memref_slice %arg10[%dma_wait3A_111, %dma_wait3A_112] : memref<200x64xf32, #tpu.memory_space<vmem>> -> memref<50x64xf32, #tpu.memory_space<vmem>>
        tpu.wait_dma2 semaphore(%run_scoped3A : memref<!tpu.dma_semaphore, #tpu.memory_space<semaphore_mem>>) src(%dma_wait3A_113 : memref<50x64xf32, #tpu.memory_space<vmem>>) dst(%dma_wait3A_110 : memref<50x64xf32, #tpu.memory_space<hbm>>)
        tpu.yield
      }) : () -> ()
      %add3A_84 = arith.constant 3 : i32
      %add3A_85 = arith.addi %add3A_74, %add3A_84 : i32
      "tpu.region"() ({
        %run_scoped3A = tpu.sem_alloc : memref<!tpu.dma_semaphore, #tpu.memory_space<semaphore_mem>>
        %dma_start3A_86 = arith.constant 150 : i32
        %dma_start3A_87 = arith.constant 0 : i32
        %dma_start3A_88 = tpu.memref_slice %arg10[%dma_start3A_86, %dma_start3A_87] : memref<200x64xf32, #tpu.memory_space<vmem>> -> memref<50x64xf32, #tpu.memory_space<vmem>>
        %dma_start3A_89 = arith.constant 0 : i32
        %dma_start3A_90 = arith.constant 0 : i32
        %dma_start3A_91 = tpu.memref_slice %arg4[%add3A_85, %dma_start3A_89, %dma_start3A_90] : memref<16384x50x64xf32, #tpu.memory_space<hbm>> -> memref<1x50x64xf32, #tpu.memory_space<hbm>>
        %dma_start3A_92 = tpu.memref_squeeze %dma_start3A_91 : memref<1x50x64xf32, #tpu.memory_space<hbm>> -> memref<50x64xf32, #tpu.memory_space<hbm>>
        %dma_start3A_93 = arith.constant 0 : i32
        %dma_start3A_94 = arith.constant 0 : i32
        %dma_start3A_95 = tpu.memref_slice %arg4[%add3A_85, %dma_start3A_93, %dma_start3A_94] : memref<16384x50x64xf32, #tpu.memory_space<hbm>> -> memref<1x50x64xf32, #tpu.memory_space<hbm>>
        %dma_start3A_96 = tpu.memref_squeeze %dma_start3A_95 : memref<1x50x64xf32, #tpu.memory_space<hbm>> -> memref<50x64xf32, #tpu.memory_space<hbm>>
        %dma_start3A_97 = arith.constant 150 : i32
        %dma_start3A_98 = arith.constant 0 : i32
        %dma_start3A_99 = tpu.memref_slice %arg10[%dma_start3A_97, %dma_start3A_98] : memref<200x64xf32, #tpu.memory_space<vmem>> -> memref<50x64xf32, #tpu.memory_space<vmem>>
        tpu.enqueue_dma source(%dma_start3A_99 : memref<50x64xf32, #tpu.memory_space<vmem>>) target(%dma_start3A_96 : memref<50x64xf32, #tpu.memory_space<hbm>>) target_semaphore(%run_scoped3A : memref<!tpu.dma_semaphore, #tpu.memory_space<semaphore_mem>>)
        %dma_wait3A_100 = arith.constant 150 : i32
        %dma_wait3A_101 = arith.constant 0 : i32
        %dma_wait3A_102 = tpu.memref_slice %arg10[%dma_wait3A_100, %dma_wait3A_101] : memref<200x64xf32, #tpu.memory_space<vmem>> -> memref<50x64xf32, #tpu.memory_space<vmem>>
        %dma_wait3A_103 = arith.constant 0 : i32
        %dma_wait3A_104 = arith.constant 0 : i32
        %dma_wait3A_105 = tpu.memref_slice %arg4[%add3A_85, %dma_wait3A_103, %dma_wait3A_104] : memref<16384x50x64xf32, #tpu.memory_space<hbm>> -> memref<1x50x64xf32, #tpu.memory_space<hbm>>
        %dma_wait3A_106 = tpu.memref_squeeze %dma_wait3A_105 : memref<1x50x64xf32, #tpu.memory_space<hbm>> -> memref<50x64xf32, #tpu.memory_space<hbm>>
        %dma_wait3A_107 = arith.constant 0 : i32
        %dma_wait3A_108 = arith.constant 0 : i32
        %dma_wait3A_109 = tpu.memref_slice %arg4[%add3A_85, %dma_wait3A_107, %dma_wait3A_108] : memref<16384x50x64xf32, #tpu.memory_space<hbm>> -> memref<1x50x64xf32, #tpu.memory_space<hbm>>
        %dma_wait3A_110 = tpu.memref_squeeze %dma_wait3A_109 : memref<1x50x64xf32, #tpu.memory_space<hbm>> -> memref<50x64xf32, #tpu.memory_space<hbm>>
        %dma_wait3A_111 = arith.constant 150 : i32
        %dma_wait3A_112 = arith.constant 0 : i32
        %dma_wait3A_113 = tpu.memref_slice %arg10[%dma_wait3A_111, %dma_wait3A_112] : memref<200x64xf32, #tpu.memory_space<vmem>> -> memref<50x64xf32, #tpu.memory_space<vmem>>
        tpu.wait_dma2 semaphore(%run_scoped3A : memref<!tpu.dma_semaphore, #tpu.memory_space<semaphore_mem>>) src(%dma_wait3A_113 : memref<50x64xf32, #tpu.memory_space<vmem>>) dst(%dma_wait3A_110 : memref<50x64xf32, #tpu.memory_space<hbm>>)
        tpu.yield
      }) : () -> ()
    }
    %scan3A_15 = arith.constant 64 : i32
    %dma_wait3A = arith.constant 0 : i32
    %dma_wait3A_16 = arith.constant 0 : i32
    %dma_wait3A_17 = tpu.memref_slice %arg3[%dma_wait3A, %dma_wait3A_16] : memref<250000x128xi32, #tpu.memory_space<hbm>> -> memref<250000x128xi32, #tpu.memory_space<hbm>>
    tpu.wait_indirect_dma semaphore(%arg11 : memref<!tpu.dma_semaphore, #tpu.memory_space<semaphore_mem>>) src(%dma_wait3A_17 : memref<250000x128xi32, #tpu.memory_space<hbm>>) dst(%arg8 : memref<200x128xi32, #tpu.memory_space<vmem>>)
    return
  }
}

</mosaic_0001>

<sc_bundles>
// kernel: _emb_lookup.3.cloned.1.call-start
scs
__scs_entry_jumppad:
0x0: {  	(pc) =	sbr.rel $0x88, $3  }
0x1: {  	(tag) =	ssettag $0x0;
	lr =	simm.s32 $0x1  }
0x2: {  	[smem:$0x3F9F] =	sst lr;
	_ =	strace $0xD0000000  }
0x3: {  	_ = 	snop  }
0x4: {  	_ = 	snop  }
0x5: {  	_ = 	snop  }
0x6: {  	_ = 	snop  }
0x7: {  	_ = 	snop  }
__scs_overlays_trampoline_lowered:
0x8: {  	[smem:$0x3FAE] =	sst s0  }
0x9: {  	[smem:$0x3FAF] =	sst s1  }
0xa: {  	[smem:$0x3FB0] =	sst s2  }
0xb: {  	[smem:$0x3FB1] =	sst s3  }
0xc: {  	[smem:$0x3FB2] =	sst s4  }
0xd: {  	[smem:$0x3FB3] =	sst s5  }
0xe: {  	[smem:$0x3FB4] =	sst s6  }
0xf: {  	[smem:$0x3FB5] =	sst s7  }
0x10: {  	[smem:$0x3FB6] =	sst s8  }
0x11: {  	[smem:$0x3FB7] =	sst s9;
	s0 =	simm.s32 @!p0 $0x0  }
0x12: {  	s1 =	sld [smem:$0x3F9D];
	s0 =	simm.s32 @p0 $0x1  }
0x13: {  	[smem:$0x3FB8] =	sst s0;
	s0 =	simm.s32 @!p1 $0x0  }
0x14: {  	s2 =	sld [smem:$0x3F9C];
	s0 =	simm.s32 @p1 $0x1  }
0x15: {  	[smem:$0x3FB9] =	sst s0;
	s0 =	simm.s32 @!p2 $0x0  }
0x16: {  	s3 =	sld [smem:$0x3FDB];
	s0 =	simm.s32 @p2 $0x1  }
0x17: {  	s4 =	simm.s32 $0x1BF5;
	[smem:$0x3FBB] =	sst s0  }
0x18: {  	s0 =	sld [smem:$0x3F9E];
	_ =	swait.ge [sflag:s4], $0x0  }
0x19: {  	s7 =	sld [smem:$0x3F9F]  }
0x1a: {  	s8 =	sadd.s32 $0xFFFFE003, lr  }
0x1b: {  	s9 =	sadd.s32 $0xFFFFFEF7, lr;
	s5 =	simm.s32 $0xFFFFFFFF;
	p2 =	slt.u32 s8, $0xFFFFF086  }
0x1c: {  	p1 =	slt.u32 s9, $0xF7A;
	s5 =	simm.s32 @!p2 $0x0  }
0x1d: {  	s5 =	simm.s32 @p1 $0x1;
	p0 =	seq.s32 s7, s2  }
0x1e: {  	s7 =	smul.u32 @!p0 $0xF7A, s2;
	p2 =	seq.s32 @!p0 s5, $0x0  }
0x1f: {  	s9 =	smul.u32 $0xF7A, s1;
	s8 =	simm.s32 @!p0 $0x1BF5;
	p2 =	por !p2, p0  }
0x20: {  	[sflag:s8] =	ssyncset.s32 @!p0 $0xFFFFF086;
	s6 =	sadd.s32 @!p0 s3, s7;
	s7 =	simm.s32 @!p0 $0x108  }
0x21: {  	s3 =	sadd.s32 s3, s9;
	s6 =	sadd.s32 @!p0 $0x88, s6;
	s7 =	simm.s32 @p2 $0x1082  }
0x22: {  	[simem:s7], [sflag:s8] =	dma.local @!p0 [hbm:s6], $0xF7A  }
0x23: {  	s9 =	sor.u32 $0xD0000000, s2;
	s6 =	simm.s32 $0x108;
	_ =	swait.ge @!p0 [sflag:s8], $0x0  }
0x24: {  	s3 =	sadd.s32 $0x88, s3;
	s6 =	simm.s32 @!p1 $0x1082;
	[sflag:s4] =	ssyncset.s32 $0xFFFFF086  }
0x25: {  	[simem:s6], [sflag:s4] =	dma.local [hbm:s3], $0xF7A  }
0x26: {  	[smem:$0x3F9F] =	sst s1;
	(tag) =	ssettag s2;
	_ =	strace s9  }
0x27: {  	s1 =	sld [smem:$0x3FAF]  }
0x28: {  	s2 =	sld [smem:$0x3FB0]  }
0x29: {  	s4 =	sld [smem:$0x3FB2]  }
0x2a: {  	p0 =	seq.s32 s5, $0x0;
	s5 =	sld [smem:$0x3FB3]  }
0x2b: {  	s6 =	sld [smem:$0x3FB4]  }
0x2c: {  	s7 =	sld [smem:$0x3FB5]  }
0x2d: {  	s3 =	simm.s32 $0x108;
	s8 =	sld [smem:$0x3FB6]  }
0x2e: {  	s3 =	simm.s32 @!p0 $0x1082;
	s9 =	sld [smem:$0x3FB7]  }
0x2f: {  	lr =	sadd.s32 s0, s3;
	s0 =	sld [smem:$0x3FAE]  }
0x30: {  	s3 =	sld [smem:$0x3FB1]  }
0x31: {  	[smem:$0x3FBA] =	sst s10  }
0x32: {  	s10 =	sld [smem:$0x3FB8];
	_ =	sdelay $0x3  }
0x33: {  	p0 =	seq.s32 s10, $0x1;
	s10 =	sld [smem:$0x3FBA];
	_ =	sdelay $0x3  }
0x34: {  	[smem:$0x3FBA] =	sst s10  }
0x35: {  	s10 =	sld [smem:$0x3FB9];
	_ =	sdelay $0x3  }
0x36: {  	p1 =	seq.s32 s10, $0x1;
	s10 =	sld [smem:$0x3FBA];
	_ =	sdelay $0x3  }
0x37: {  	[smem:$0x3FBA] =	sst s10  }
0x38: {  	s10 =	sld [smem:$0x3FBB]  }
0x39: {  	_ = 	snop;
	(pc) =	sbr.ind lr, $3  }
0x3a: {  	_ = 	snop  }
0x3b: {  	_ = 	snop  }
0x3c: {  	p2 =	seq.s32 s10, $0x1;
	s10 =	sld [smem:$0x3FBA]  }
0x3d: {  	_ =	shalt  }
0x3e: {  	_ =	shalt  }
0x3f: {  	_ =	shalt  }
0x40: {  	_ =	shalt  }
0x41: {  	_ =	shalt  }
0x42: {  	_ =	shalt  }
0x43: {  	_ =	shalt  }
0x44: {  	_ =	shalt  }
0x45: {  	_ =	shalt  }
0x46: {  	_ =	shalt  }
0x47: {  	_ =	shalt  }
0x48: {  	_ =	shalt  }
0x49: {  	_ =	shalt  }
0x4a: {  	_ =	shalt  }
0x4b: {  	_ =	shalt  }
0x4c: {  	_ =	shalt  }
0x4d: {  	_ =	shalt  }
0x4e: {  	_ =	shalt  }
0x4f: {  	_ =	shalt  }
0x50: {  	_ =	shalt  }
0x51: {  	_ =	shalt  }
0x52: {  	_ =	shalt  }
0x53: {  	_ =	shalt  }
0x54: {  	_ =	shalt  }
0x55: {  	_ =	shalt  }
0x56: {  	_ =	shalt  }
0x57: {  	_ =	shalt  }
0x58: {  	_ =	shalt  }
0x59: {  	_ =	shalt  }
0x5a: {  	_ =	shalt  }
0x5b: {  	_ =	shalt  }
0x5c: {  	_ =	shalt  }
0x5d: {  	_ =	shalt  }
0x5e: {  	_ =	shalt  }
0x5f: {  	_ =	shalt  }
0x60: {  	_ =	shalt  }
0x61: {  	_ =	shalt  }
0x62: {  	_ =	shalt  }
0x63: {  	_ =	shalt  }
0x64: {  	_ =	shalt  }
0x65: {  	_ =	shalt  }
0x66: {  	_ =	shalt  }
0x67: {  	_ =	shalt  }
0x68: {  	_ =	shalt  }
0x69: {  	_ =	shalt  }
0x6a: {  	_ =	shalt  }
0x6b: {  	_ =	shalt  }
0x6c: {  	_ =	shalt  }
0x6d: {  	_ =	shalt  }
0x6e: {  	_ =	shalt  }
0x6f: {  	_ =	shalt  }
0x70: {  	_ =	shalt  }
0x71: {  	_ =	shalt  }
0x72: {  	_ =	shalt  }
0x73: {  	_ =	shalt  }
0x74: {  	_ =	shalt  }
0x75: {  	_ =	shalt  }
0x76: {  	_ =	shalt  }
0x77: {  	_ =	shalt  }
0x78: {  	_ =	shalt  }
0x79: {  	_ =	shalt  }
0x7a: {  	_ =	shalt  }
0x7b: {  	_ =	shalt  }
0x7c: {  	_ =	shalt  }
0x7d: {  	_ =	shalt  }
0x7e: {  	_ =	shalt  }
0x7f: {  	_ =	shalt  }
0x80: {  	_ =	shalt  }
0x81: {  	_ =	shalt  }
0x82: {  	_ =	shalt  }
0x83: {  	_ =	shalt  }
0x84: {  	_ =	shalt  }
0x85: {  	_ =	shalt  }
0x86: {  	_ =	shalt  }
0x87: {  	_ =	shalt  }
.Lfunc_end0:
.L_simem_size_0:
called_computation_lowered:
.L_overlay_start_0:
0x88: {  	s2 =	sld [smem:$0x3FD9]  }
0x89: {  	s3 =	sld [smem:$0x3FFE];
	_ =	sdelay $0x1  }
0x8a: {  	s1 =	srdreg.scid  }
0x8b: {  	s0 =	sand.u32 $0x1, s1  }
0x8c: {  	s17 =	sshll.u32 s0, $0xA;
	s2 =	sadd.s32 s3, s2  }
0x8d: {  	s2 =	sadd.s32 s2, s17  }
0x8e: {  	[smem:$0x3FC6] =	sst s2  }
0x8f: {  	_ = 	snop  }
0x90: {  	s2 =	sld [smem:$0x3FC9]  }
0x91: {  	s18 =	sld [smem:$0x3FC8];
	(tm) =	ssettm $0x1  }
0x92: {  	s4 =	sld [smem:$0x3FFB];
	_ =	sdelay $0x3  }
0x93: {  	_ =	strace s4  }
0x94: {  	s4 =	sld [smem:$0x3FFC];
	_ =	sdelay $0x3  }
0x95: {  	_ =	strace s4  }
0x96: {  	s4 =	sld [smem:$0x3FFD];
	_ =	sdelay $0x3  }
0x97: {  	_ =	strace s4  }
0x98: {  	_ =	strace $0x8FFFFFFF  }
0x99: {  	s19 =	sld [smem:$0x3FDB];
	_ =	sdelay $0x1  }
0x9a: {  	s5 =	simm.s32 $_scs_section_size  }
0x9b: {  	s6 =	simm.s32 $_size__tile_overlayer_lowered;
	s7 =	simm.s32 $_tile_overlayer_lowered  }
0x9c: {  	s22 =	simm.s32 $0x1BFF;
	s21 =	sshll.u32 s7, $0x1;
	s4 =	sadd.s32 s5, s19  }
0x9d: {  	s8 =	simm.s32 $0x0;
	s20 =	sshll.u32 s6, $0x1;
	s6 =	sadd.s32 s21, s4  }
0x9e: {  	[timem:s8], [sflag:s22] =	dma.local [hbm:s6], s20  }
0x9f: {  	_ =	swait.ge [sflag:s22], s20  }
0xa0: {  	s5 =	ssub.s32 $0x0, s20;
	[sflag:s22] =	ssyncset.done $0x0  }
0xa1: {  	[sflag:s22] =	ssyncadd.s32 s5;
	_ =	sdelay $0x1  }
0xa2: {  	s23 =	simm.s32 $0x1B8B  }
0xa3: {  	_ =	swait.ge [sflag:s23], $0x1  }
0xa4: {  	[sflag:s23] =	ssyncset.done $0x0  }
0xa5: {  	s25 =	simm.s32 $0x1B8E;
	s24 =	sld [smem:$0x3FFE];
	[sflag:s23] =	ssyncadd.s32 $0xFFFFFFFF  }
0xa6: {  	s26 =	simm.s32 $execute0_lowered;
	[smem:$0x3FD2] =	sst s25  }
0xa7: {  	s6 =	sshll.u32 s26, $0x1;
	_ =	strace $0x80000046;
	[dreg:$0x1] =	wrdreg $0xFFFFFFFF  }
0xa8: {  	s28 =	simm.s32 $_size_execute0_lowered;
	s4 =	sadd.s32 s4, s6;
	[dreg:$0x0] =	wrdreg $0x0  }
0xa9: {  	s6 =	sshll.u32 s28, $0x1;
	[dreg:$0x2] =	wrdreg s4  }
0xaa: {  	[dreg:$0x3] =	wrdreg s6  }
0xab: {  	[dreg:$0x4] =	wrdreg $0xC0  }
0xac: {  	_ =	task [dreg:s8], $0x5FFFF  }
0xad: {  	[dreg:$0x1] =	wrdreg $0xFFFFFFFF  }
0xae: {  	[dreg:$0x0] =	wrdreg $0x60  }
0xaf: {  	[dreg:$0x2] =	wrdreg s2  }
0xb0: {  	[dreg:$0x3] =	wrdreg s18  }
0xb1: {  	[dreg:$0x4] =	wrdreg s24  }
0xb2: {  	[dreg:$0x5] =	wrdreg $0x9  }
0xb3: {  	_ =	task.clear_ibuf [dreg:s8], $0x6FFFF;
	_ =	strace $0x90000046  }
0xb4: {  	s29 =	simm.s32 $0x9;
	_ =	strace $0x80000048  }
0xb5: {  	_ =	swait.ge [sflag:s29], $0x1  }
0xb6: {  	[sflag:s29] =	ssyncadd.s32 $0xFFFFFFFF  }
0xb7: {  	_ =	strace $0x90000048  }
0xb8: {  	_ =	sfence  }
0xb9: {  	s30 =	sld [smem:$0x0];
	_ =	sdelay $0x2  }
0xba: {  	s31 =	sshll.u32 s1, $0xD;
	s1 =	sshrl.u32 s1, $0x2  }
0xbb: {  	s3 =	sand.u32 $0x4000, s31;
	s1 =	sadd.s32 s1, s30  }
0xbc: {  	s0 =	sor.u32 s3, s0;
	s1 =	sshll.u32 s1, $0x11  }
0xbd: {  	s0 =	sor.u32 s1, s0  }
0xbe: {  	s0 =	sadd.s32 $0x8F2B, s0  }
0xbf: {  	[sflag:s0] =	ssyncadd.remote.s32 $0x1  }
0xc0: {  	_ =	sfence.sel $0xFFFF  }
0xc1: {  	[dreg:$0x0] =	wrdreg $0xFFFFFFFF;
	(pc) =	sbr.abs _section_cstart, $3  }
0xc2: {  	[dreg:$0x1] =	wrdreg $0xFFFFFFFF  }
0xc3: {  	_ =	task.clear_ibuf [dreg:s8], $0x2FFFF;
	_ =	strace $0x9FFFFFFF  }
0xc4: {  	(tm) =	ssettm $0x7FFFFFFF  }
0xc5: {  	_ =	shalt  }
tec
execute0_lowered:
.L_overlay_start_1:
0x0: {  	(tag) =	ssettag $0x1  }
0x1: {  	s18 =	rddreg [dreg:$0x0]  }
0x2: {  	s31 =	rddreg [dreg:$0x1];
	v0 =	vimm.s32 $0xEFCDAB89;
	s0 =	srdreg.scid;
	v1 =	vimm.s32 $0x67452301  }
0x3: {  	s1 =	stileid.u32;
	v2 =	vimm.s32 $0xDCFE98BA;
	s3 =	rddreg [dreg:$0x2];
	s4 =	simm.s32 $0x0;
	v3 =	vimm.s32 $0x54761032;
	v4 =	vimm.s32 $0xBA98FEDC  }
0x4: {  	v5 =	vimm.s32 $0x32107654;
	v6 =	vimm.s32 $0xFEDCBA98;
	s12 =	simm.s32 $0x2;
	s13 =	simm.s32 $0xC8;
	s14 =	simm.s32 $0x200  }
0x5: {  	v7 =	vimm.s32 $0x76543210;
	s16 =	simm.s32 $0x1;
	s19 =	simm.s32 $0xCB00;
	s20 =	simm.s32 $0xE400;
	v0 =	vunpack.c.l.s4.s8 v0;
	v1 =	vunpack.c.l.s4.s8 v1  }
0x6: {  	s21 =	simm.s32 $0xFD00;
	s0 =	sand.u32 $0x1, s0;
	s5 =	sshll.u32 s1, $0x1;
	v2 =	vunpack.c.l.s4.s8 v2;
	v3 =	vunpack.c.l.s4.s8 v3;
	v4 =	vunpack.c.l.s4.s8 v4  }
0x7: {  	s22 =	simm.s32 $0x11600;
	[smem:$0x7FF] =	sst s4;
	v5 =	vunpack.c.l.s4.s8 v5;
	v6 =	vunpack.c.l.s4.s8 v6;
	v7 =	vunpack.c.l.s4.s8 v7;
	s7 =	sor.u32 s0, s5  }
0x8: {  	s6 =	sadd.s32 $0x400, s3;
	s0 =	ssub.s32 $0x2, s0;
	v0 =	vunpack.c.0.s8.s32 v0;
	s29 =	smul.u32 $0x6400, s7;
	v1 =	vunpack.c.0.s8.s32 v1;
	v2 =	vunpack.c.0.s8.s32 v2  }
0x9: {  	s30 =	sadd.s32 $0x780, s3;
	_ =	strace $0x80000047;
	s8 =	sshrl.u32 s0, $0x1;
	v3 =	vunpack.c.0.s8.s32 v3;
	v4 =	vunpack.c.0.s8.s32 v4;
	v5 =	vunpack.c.0.s8.s32 v5  }
0xa: {  	[dreg:$0x5] =	wrdreg s30;
	s0 =	ssub.s32 s0, s8;
	s1 =	sor.u32 $0x190, s29;
	v0 =	vcombine.low v1, v0;
	v1 =	vunpack.c.0.s8.s32 v6  }
0xb: {  	s9 =	sshrl.u32 s29, $0x3;
	s0 =	smax.u32 s0, $0x1;
	v2 =	vcombine.low v3, v2;
	v3 =	vcombine.low v5, v4;
	v4 =	vunpack.c.0.s8.s32 v7;
	[dreg:$0x6] =	wrdreg s1  }
0xc: {  	s7 =	sshll.u32 s7, $0x9;
	s2 =	sadd.s32 s18, s9;
	[dreg:$0x7] =	wrdreg s0;
	v0 =	vand.u32 $0xF, v0;
	v5 =	vand.u32 $0xF, v1  }
0xd: {  	s10 =	smov.u32 s29;
	s1 =	simm.s32 $0x0;
	[dreg:$0x4] =	wrdreg s2;
	v1 =	vand.u32 $0xF, v2;
	v2 =	vand.u32 $0xF, v3;
	v3 =	vcombine.low v5, v4  }
.LBB2_1:
0xe: {  	[dreg:$0x8] =	wrdreg s1  }
0xf: {  	s0 =	rddreg [dreg:$0x4]  }
0x10: {  	[tilespmem:s4], [sflag:$0x2] =	stream.linear.gather [hbm4b:s0+s4], $0xC8, $0x38;
	[tilespmem:$0x12F00] =	vst v63  }
0x11: {  	_ =	swait.ge [sflag:s12], $0xC8  }
0x12: {  	[sflag:s12] =	ssyncset.done $0x0  }
0x13: {  	s30 =	simm.s32 $0x20;
	[sflag:s12] =	ssyncadd.s32 $0xFFFFFF38  }
0x14: {  	v4 =	vld [tilespmem:s30+$0xFFFFFFE0]  }
0x15: {  	v6 =	vld [tilespmem:s30+$0x0]  }
0x16: {  	v5 =	vld [tilespmem:s30+$0x10]  }
0x17: {  	v7 =	vld [tilespmem:s30+$0xFFFFFFF0];
	_ =	sdelay $0x1  }
0x18: {  	s3 =	simm.s32 $0x60;
	s0 =	simm.s32 $0x220;
	v8 =	vshrl.u32 v4, $0x2  }
0x19: {  	v4 =	vld [tilespmem:s3+$0xFFFFFFE0];
	v9 =	vshrl.u32 v6, $0x2;
	[tilespmem:s0+$0xFFFFFFE0] =	vst v8  }
0x1a: {  	v6 =	vld [tilespmem:s3+$0x0];
	v8 =	vshrl.u32 v5, $0x2;
	[tilespmem:s0+$0x0] =	vst v9  }
0x1b: {  	s8 =	simm.s32 $0x4;
	v7 =	vshrl.u32 v7, $0x2;
	v5 =	vld [tilespmem:s3+$0x10];
	[tilespmem:s0+$0x10] =	vst v8  }
.LBB2_2:
0x1c: {  	s8 =	sadd.s32 $0x4, s8  }
0x1d: {  	v8 =	vld [tilespmem:s3+$0xFFFFFFF0];
	[tilespmem:s0+$0xFFFFFFF0] =	vst v7;
	s0 =	sadd.s32 $0x40, s0;
	p0 =	slt.u32 s8, $0x8  }
.Ltmp0:
0x1e: {  	(pc) =	sbr.rel @p0 .LBB2_2-.Ltmp0, $4  }
0x1f: {  	s3 =	sadd.s32 $0x40, s3;
	v7 =	vshrl.u32 v4, $0x2  }
0x20: {  	v4 =	vld [tilespmem:s3+$0xFFFFFFE0];
	[tilespmem:s0+$0xFFFFFFE0] =	vst v7;
	v7 =	vshrl.u32 v5, $0x2  }
0x21: {  	v5 =	vld [tilespmem:s3+$0x10];
	v9 =	vshrl.u32 v6, $0x2;
	[tilespmem:s0+$0x10] =	vst v7  }
0x22: {  	v6 =	vld [tilespmem:s3+$0x0];
	v7 =	vshrl.u32 v8, $0x2;
	[tilespmem:s0+$0x0] =	vst v9  }
0x23: {  	v8 =	vld [tilespmem:s3+$0xFFFFFFF0];
	_ =	sdelay $0x1  }
0x24: {  	[tilespmem:s0+$0xFFFFFFF0] =	vst v7;
	s29 =	sadd.s32 $0x40, s0;
	v4 =	vshrl.u32 v4, $0x2  }
0x25: {  	[tilespmem:s29+$0xFFFFFFE0] =	vst v4;
	v4 =	vshrl.u32 v5, $0x2  }
0x26: {  	v5 =	vshrl.u32 v6, $0x2;
	[tilespmem:s29+$0x10] =	vst v4  }
0x27: {  	v4 =	vshrl.u32 v8, $0x2;
	[tilespmem:s29+$0x0] =	vst v5  }
0x28: {  	[tilespmem:s29+$0xFFFFFFF0] =	vst v4  }
0x29: {  	v4 =	vld [tilespmem:$0xB8];
	_ =	sdelay $0x4  }
0x2a: {  	v4 =	vshrl.u32 v4, $0x2  }
0x2b: {  	s30 =	simm.s32 $0x300;
	s24 =	simm.s32 $0x0;
	[tilespmem:$0x2B8] =	vst v4  }
0x2c: {  	[tilespmem:s30], [sflag:$0x1] =	stream.indirect.gather [hbm4b:s31+s13], $0x80, s14, s13, $0xb8;
	[tilespmem:$0x12F00] =	vst v63  }
.LBB2_4:
0x2d: {  	s25 =	sshllo.u32 s24, $0x1  }
0x2e: {  	s0 =	smul.u32 $0xC8, s25;
	_ =	sdelay $0x1  }
0x2f: {  	_ =	swait.ge [sflag:s16], $0x6400;
	s0 =	sadd.s32 s10, s0  }
0x30: {  	[sflag:s16] =	ssyncset.done $0x0;
	s0 =	sshrl.u32 s0, $0x3  }
0x31: {  	s1 =	simm.s32 $0x100;
	[sflag:s16] =	ssyncadd.s32 $0xFFFF9C00;
	s0 =	sadd.s32 s18, s0  }
0x32: {  	[tilespmem:s1], [sflag:$0x2] =	stream.linear.gather [hbm4b:s0+s4], $0xC8, $0x38;
	[tilespmem:$0x12F00] =	vst v63  }
0x33: {  	_ =	swait.ge [sflag:s12], $0xC8  }
0x34: {  	[sflag:s12] =	ssyncset.done $0x0  }
0x35: {  	s30 =	simm.s32 $0x120;
	[sflag:s12] =	ssyncadd.s32 $0xFFFFFF38  }
0x36: {  	v4 =	vld [tilespmem:s30+$0xFFFFFFE0]  }
0x37: {  	v6 =	vld [tilespmem:s30+$0x0]  }
0x38: {  	v5 =	vld [tilespmem:s30+$0x10]  }
0x39: {  	v7 =	vld [tilespmem:s30+$0xFFFFFFF0];
	_ =	sdelay $0x1  }
0x3a: {  	s3 =	simm.s32 $0x160;
	s0 =	simm.s32 $0x220;
	v8 =	vshrl.u32 v4, $0x2  }
0x3b: {  	v4 =	vld [tilespmem:s3+$0xFFFFFFE0];
	v9 =	vshrl.u32 v6, $0x2;
	[tilespmem:s0+$0xFFFFFFE0] =	vst v8  }
0x3c: {  	v6 =	vld [tilespmem:s3+$0x0];
	v8 =	vshrl.u32 v5, $0x2;
	[tilespmem:s0+$0x0] =	vst v9  }
0x3d: {  	s2 =	smov.u32 s18;
	s26 =	sshll.u32 s24, $0x1;
	s8 =	simm.s32 $0x4;
	v7 =	vshrl.u32 v7, $0x2;
	v5 =	vld [tilespmem:s3+$0x10];
	[tilespmem:s0+$0x10] =	vst v8  }
.LBB2_5:
0x3e: {  	s8 =	sadd.s32 $0x4, s8  }
0x3f: {  	v8 =	vld [tilespmem:s3+$0xFFFFFFF0];
	[tilespmem:s0+$0xFFFFFFF0] =	vst v7;
	s0 =	sadd.s32 $0x40, s0;
	p0 =	slt.u32 s8, $0x8  }
.Ltmp1:
0x40: {  	(pc) =	sbr.rel @p0 .LBB2_5-.Ltmp1, $4  }
0x41: {  	s3 =	sadd.s32 $0x40, s3;
	v7 =	vshrl.u32 v4, $0x2  }
0x42: {  	v4 =	vld [tilespmem:s3+$0xFFFFFFE0];
	[tilespmem:s0+$0xFFFFFFE0] =	vst v7;
	v7 =	vshrl.u32 v5, $0x2  }
0x43: {  	v5 =	vld [tilespmem:s3+$0x10];
	v9 =	vshrl.u32 v6, $0x2;
	[tilespmem:s0+$0x10] =	vst v7  }
0x44: {  	v6 =	vld [tilespmem:s3+$0x0];
	v7 =	vshrl.u32 v8, $0x2;
	[tilespmem:s0+$0x0] =	vst v9  }
0x45: {  	v8 =	vld [tilespmem:s3+$0xFFFFFFF0];
	_ =	sdelay $0x1  }
0x46: {  	[tilespmem:s0+$0xFFFFFFF0] =	vst v7;
	s5 =	sadd.s32 $0x40, s0;
	v4 =	vshrl.u32 v4, $0x2  }
0x47: {  	[tilespmem:s5+$0xFFFFFFE0] =	vst v4;
	v4 =	vshrl.u32 v5, $0x2  }
0x48: {  	v5 =	vshrl.u32 v6, $0x2;
	[tilespmem:s5+$0x10] =	vst v4  }
0x49: {  	v4 =	vshrl.u32 v8, $0x2;
	[tilespmem:s5+$0x0] =	vst v5  }
0x4a: {  	[tilespmem:s5+$0xFFFFFFF0] =	vst v4  }
0x4b: {  	v4 =	vld [tilespmem:$0x1B8];
	_ =	sdelay $0x4  }
0x4c: {  	v4 =	vshrl.u32 v4, $0x2  }
0x4d: {  	s8 =	simm.s32 $0x6700;
	s11 =	simm.s32 $0x4;
	[tilespmem:$0x2B8] =	vst v4  }
0x4e: {  	[tilespmem:s8], [sflag:$0x1] =	stream.indirect.gather [hbm4b:s31+s13], $0x80, s14, s13, $0xb8;
	[tilespmem:$0x12F00] =	vst v63  }
0x4f: {  	v4 =	vld [tilespmem:s11+$0x3];
	_ =	sdelay $0x1  }
0x50: {  	v5 =	vld [tilespmem:s11+$0xFFFFFFFD];
	_ =	sdelay $0x1  }
0x51: {  	v6 =	vld [tilespmem:s11+$0xFFFFFFFE]  }
0x52: {  	(v2sf) =	vpush v4, $0x0  }
0x53: {  	v7 =	vld [tilespmem:s11+$0xFFFFFFFF]  }
0x54: {  	(v2sf) =	vpush v5, $0x0;
	_ =	sdelay $0x1  }
0x55: {  	v8 =	vld [tilespmem:s11+$0x0];
	(v2sf) =	vpush v6, $0x0  }
0x56: {  	v9 =	vld [tilespmem:s11+$0x1]  }
0x57: {  	v4 =	vld [tilespmem:s11+$0x2];
	(v2sf) =	vpush v7, $0x0  }
0x58: {  	v5 =	vld [tilespmem:s11+$0xFFFFFFFC];
	_ =	sdelay $0x1  }
0x59: {  	(v2sf) =	vpush v8, $0x0  }
0x5a: {  	(v2sf) =	vpush v9, $0x0  }
0x5b: {  	(v2sf) =	vpush v4, $0x0  }
0x5c: {  	(v2sf) =	vpush v5, $0x0;
	_ =	sdelay $0x2  }
0x5d: {  	s15 =	spop (v2sf)  }
0x5e: {  	s0 =	sand.u32 $0x3, s15  }
0x5f: {  	s17 =	spop (v2sf);
	s0 =	sshll.u32 s0, $0x5  }
0x60: {  	s3 =	sand.u32 $0x3, s17;
	s0 =	sadd.s32 $0x0, s0  }
0x61: {  	s8 =	spop (v2sf);
	s3 =	sshll.u32 s3, $0x5;
	v4 =	vld [tilespmem:s0+$0x680]  }
0x62: {  	s8 =	sand.u32 $0x3, s8;
	v6 =	vld [tilespmem:s0+$0x690];
	s3 =	sadd.s32 $0x0, s3  }
0x63: {  	s11 =	spop (v2sf);
	s8 =	sshll.u32 s8, $0x5;
	v7 =	vld [tilespmem:s3+$0x380]  }
0x64: {  	s11 =	sand.u32 $0x3, s11;
	s8 =	sadd.s32 $0x0, s8;
	v30 =	vld [tilespmem:s3+$0x390]  }
0x65: {  	s11 =	sshll.u32 s11, $0x5;
	v11 =	vld [tilespmem:s8+$0x400]  }
0x66: {  	s23 =	spop (v2sf);
	s11 =	sadd.s32 $0x0, s11;
	v32 =	vld [tilespmem:s8+$0x410]  }
0x67: {  	s28 =	spop (v2sf);
	s23 =	sand.u32 $0x3, s23;
	v12 =	vld [tilespmem:s11+$0x480];
	v15 =	vshll.u32 v4, $0x10;
	v4 =	vand.u32 $0xFFFF0000, v4  }
0x68: {  	s18 =	spop (v2sf);
	s23 =	sshll.u32 s23, $0x5;
	v5 =	vshll.u32 v6, $0x10;
	v36 =	vand.u32 $0xFFFF0000, v6;
	v8 =	vmul.f32 v15, v15  }
0x69: {  	s28 =	sand.u32 $0x3, s28;
	s29 =	spop (v2sf);
	s23 =	sadd.s32 $0x0, s23;
	v37 =	vld [tilespmem:s11+$0x490];
	v9 =	vmul.f32 v4, v4;
	v19 =	vshll.u32 v7, $0x10;
	v18 =	vand.u32 $0xFFFF0000, v7  }
0x6a: {  	s28 =	sshll.u32 s28, $0x5;
	s29 =	sand.u32 $0x3, s29;
	v38 =	vld [tilespmem:s23+$0x510];
	v28 =	vshll.u32 v30, $0x10;
	v17 =	vshll.u32 v11, $0x10;
	v16 =	vand.u32 $0xFFFF0000, v11  }
0x6b: {  	s0 =	sand.u32 $0x3, s18;
	s28 =	sadd.s32 $0x0, s28;
	s29 =	sshll.u32 s29, $0x5;
	v6 =	vld [tilespmem:s23+$0x500];
	v33 =	vmul.f32 v18, v18;
	v26 =	vshll.u32 v32, $0x10;
	v59 =	vmul.f32 v28, v28  }
0x6c: {  	s0 =	sshll.u32 s0, $0x5;
	v13 =	vld [tilespmem:s28+$0x580];
	s29 =	sadd.s32 $0x0, s29;
	v8 =	vadd.f32 v9, v8;
	v9 =	vmul.f32 v5, v5;
	v14 =	vshll.u32 v12, $0x10  }
0x6d: {  	s0 =	sadd.s32 $0x0, s0;
	v10 =	vld [tilespmem:s29+$0x300];
	v12 =	vand.u32 $0xFFFF0000, v12;
	v34 =	vmul.f32 v17, v17;
	v35 =	vmul.f32 v16, v16  }
0x6e: {  	v20 =	vld [tilespmem:s0+$0x600];
	v24 =	vshll.u32 v37, $0x10;
	v60 =	vmul.f32 v26, v26;
	v40 =	vmul.f32 v14, v14  }
0x6f: {  	v25 =	vld [tilespmem:s29+$0x310];
	v43 =	vmul.f32 v12, v12;
	v8 =	vadd.f32 v9, v8;
	v9 =	vmul.f32 v36, v36  }
0x70: {  	v61 =	vmul.f32 v24, v24;
	v11 =	vand.u32 $0xFFFF0000, v6;
	v51 =	vadd.f32 v35, v34  }
0x71: {  	v34 =	vand.u32 $0xFFFF0000, v30;
	v30 =	vand.u32 $0xFFFF0000, v38;
	v7 =	vadd.f32 v8, v9  }
0x72: {  	v45 =	vmul.f32 v11, v11;
	v40 =	vadd.f32 v43, v40;
	v22 =	vshll.u32 v10, $0x10  }
0x73: {  	v23 =	vand.u32 $0xFFFF0000, v10;
	v10 =	vshll.u32 v6, $0x10;
	v9 =	vperm.xlane v7, v0  }
0x74: {  	v8 =	vshll.u32 v13, $0x10;
	v6 =	vand.u32 $0xFFFF0000, v20;
	v29 =	vshll.u32 v25, $0x10  }
0x75: {  	v27 =	vmul.f32 v22, v22;
	v31 =	vmul.f32 v23, v23;
	v21 =	vadd.f32 v7, v9  }
0x76: {  	v35 =	vand.u32 $0xFFFF0000, v25;
	v44 =	vmul.f32 v10, v10;
	v47 =	vmul.f32 v8, v8  }
0x77: {  	v39 =	vld [tilespmem:s28+$0x590];
	v57 =	vmul.f32 v6, v6;
	v7 =	vshll.u32 v20, $0x10;
	v20 =	vperm.xlane v21, v1  }
0x78: {  	v58 =	vmul.f32 v29, v29;
	v40 =	vadd.f32 v61, v40;
	v61 =	vmul.f32 v34, v34  }
0x79: {  	v27 =	vadd.f32 v31, v27;
	v9 =	vand.u32 $0xFFFF0000, v13;
	v41 =	vadd.f32 v21, v20  }
0x7a: {  	v42 =	vld [tilespmem:s0+$0x610];
	v44 =	vadd.f32 v45, v44;
	v13 =	vmul.f32 v19, v19;
	v48 =	vmul.f32 v9, v9  }
0x7b: {  	v49 =	vmul.f32 v7, v7;
	v56 =	vadd.f32 v58, v27;
	v46 =	vperm.xlane v41, v2  }
0x7c: {  	v27 =	vand.u32 $0xFFFF0000, v39;
	v58 =	vadd.f32 v60, v51;
	v50 =	vadd.f32 v33, v13  }
0x7d: {  	v21 =	vshll.u32 v38, $0x10;
	v20 =	vshll.u32 v39, $0x10;
	v41 =	vadd.f32 v41, v46  }
0x7e: {  	v45 =	vadd.f32 v48, v47;
	v62 =	vmul.f32 v21, v21;
	v52 =	vmul.f32 v20, v20  }
0x7f: {  	v13 =	vshll.u32 v42, $0x10;
	v33 =	vand.u32 $0xFFFF0000, v32;
	v31 =	vperm.xlane v41, v3  }
0x80: {  	v60 =	vadd.f32 v62, v44;
	v45 =	vadd.f32 v52, v45;
	v62 =	vmul.f32 v33, v33  }
0x81: {  	v54 =	vmul.f32 v13, v13;
	v31 =	vadd.f32 v41, v31;
	v41 =	vadd.f32 v57, v49  }
0x82: {  	v52 =	vmul.f32 v30, v30;
	v39 =	vadd.f32 v58, v62;
	v57 =	vadd.f32 v59, v50  }
0x83: {  	v59 =	vmul.f32 v35, v35;
	v25 =	vmax.f32 v31, $1.000000000e+00;
	v41 =	vadd.f32 v54, v41  }
0x84: {  	v54 =	vmul.f32 v27, v27;
	v31 =	vshra.s32 v25, $0x1;
	v53 =	vmul.f32 $5.000000000e-01, v25  }
0x85: {  	v55 =	vsub.s32 $0x5F3759DF, v31;
	v31 =	vand.u32 $0xFFFF0000, v37;
	v37 =	vadd.f32 v56, v59  }
0x86: {  	v38 =	vadd.f32 v57, v61;
	v61 =	vperm.xlane v39, v0;
	v63 =	vmul.f32 v55, v53  }
0x87: {  	v25 =	vand.u32 $0xFFFF0000, v42;
	v42 =	vadd.f32 v60, v52;
	v57 =	vperm.xlane v37, v0  }
0x88: {  	v58 =	vadd.f32 v45, v54;
	v59 =	vperm.xlane v38, v0;
	v32 =	vmul.f32 v55, v63  }
0x89: {  	v39 =	vadd.f32 v39, v61;
	v63 =	vmul.f32 v31, v31;
	v37 =	vadd.f32 v37, v57  }
0x8a: {  	v52 =	vperm.xlane v58, v0;
	v38 =	vadd.f32 v38, v59;
	v32 =	vsub.f32 $1.500000000e+00, v32  }
0x8b: {  	v40 =	vadd.f32 v40, v63;
	v63 =	vperm.xlane v42, v0;
	v54 =	vperm.xlane v37, v1  }
0x8c: {  	v43 =	vadd.f32 v58, v52;
	v32 =	vmul.f32 v55, v32;
	v55 =	vmul.f32 v25, v25  }
0x8d: {  	v62 =	vperm.xlane v40, v0;
	v42 =	vadd.f32 v42, v63;
	v37 =	vadd.f32 v37, v54  }
0x8e: {  	v56 =	vmul.f32 v32, v53;
	v41 =	vadd.f32 v41, v55;
	v55 =	vperm.xlane v38, v1  }
0x8f: {  	v40 =	vadd.f32 v40, v62;
	v58 =	vperm.xlane v42, v1;
	v62 =	vperm.xlane v37, v2  }
0x90: {  	v60 =	vmul.f32 v56, v32;
	v53 =	vperm.xlane v41, v0  }
0x91: {  	v56 =	vperm.xlane v39, v1;
	v38 =	vadd.f32 v38, v55;
	v42 =	vadd.f32 v42, v58  }
0x92: {  	v57 =	vperm.xlane v40, v1;
	v37 =	vadd.f32 v37, v62;
	v45 =	vsub.f32 $1.500000000e+00, v60  }
0x93: {  	v41 =	vadd.f32 v41, v53;
	v60 =	vperm.xlane v43, v1;
	v63 =	vperm.xlane v38, v2  }
0x94: {  	v59 =	vadd.f32 v39, v56;
	v51 =	vperm.xlane v42, v2;
	v54 =	vperm.xlane v37, v3  }
0x95: {  	v40 =	vadd.f32 v40, v57;
	v32 =	vmul.f32 v45, v32;
	v61 =	vperm.xlane v41, v1  }
0x96: {  	v39 =	vadd.f32 v43, v60;
	v48 =	vperm.xlane v59, v2;
	v38 =	vadd.f32 v38, v63  }
0x97: {  	v49 =	vperm.xlane v40, v2;
	v42 =	vadd.f32 v42, v51;
	v37 =	vadd.f32 v37, v54  }
0x98: {  	v32 =	vmul.f32 $8.000000000e+00, v32;
	v41 =	vadd.f32 v41, v61;
	v52 =	vperm.xlane v39, v2  }
0x99: {  	v40 =	vadd.f32 v40, v49;
	v55 =	vperm.xlane v38, v3;
	v58 =	vperm.xlane v42, v3  }
0x9a: {  	v37 =	vmax.f32 v37, $1.000000000e+00;
	v50 =	vmul.f32 v36, v32;
	v36 =	vadd.f32 v59, v48  }
0x9b: {  	v53 =	vperm.xlane v41, v2;
	v39 =	vadd.f32 v39, v52;
	v57 =	vperm.xlane v40, v3  }
0x9c: {  	v38 =	vadd.f32 v38, v55;
	v42 =	vadd.f32 v42, v58;
	v61 =	vshra.s32 v37, $0x1  }
0x9d: {  	v44 =	vsub.s32 $0x5F3759DF, v61;
	v56 =	vperm.xlane v36, v3;
	v41 =	vadd.f32 v41, v53  }
0x9e: {  	v59 =	vperm.xlane v39, v3;
	v40 =	vadd.f32 v40, v57;
	v38 =	vmax.f32 v38, $1.000000000e+00  }
0x9f: {  	v45 =	vmax.f32 v42, $1.000000000e+00;
	v42 =	vmul.f32 $5.000000000e-01, v37;
	v62 =	vshra.s32 v38, $0x1  }
0xa0: {  	v43 =	vmul.f32 $5.000000000e-01, v38;
	v57 =	vshra.s32 v45, $0x1;
	v38 =	vmul.f32 $5.000000000e-01, v45  }
0xa1: {  	v60 =	vperm.xlane v41, v3;
	v36 =	vadd.f32 v36, v56;
	v39 =	vadd.f32 v39, v59  }
0xa2: {  	v40 =	vmax.f32 v40, $1.000000000e+00;
	v58 =	vmul.f32 v44, v42;
	v46 =	vsub.s32 $0x5F3759DF, v62  }
0xa3: {  	v51 =	vsub.s32 $0x5F3759DF, v57;
	v56 =	vshra.s32 v40, $0x1;
	v40 =	vmul.f32 $5.000000000e-01, v40  }
0xa4: {  	v61 =	vmul.f32 v46, v43;
	v57 =	vmul.f32 v51, v38;
	v36 =	vmax.f32 v36, $1.000000000e+00  }
0xa5: {  	v41 =	vadd.f32 v41, v60;
	v39 =	vmax.f32 v39, $1.000000000e+00;
	v45 =	vmul.f32 v44, v58  }
0xa6: {  	v54 =	vsub.s32 $0x5F3759DF, v56;
	v63 =	vshra.s32 v36, $0x1;
	v59 =	vshra.s32 v39, $0x1  }
0xa7: {  	v37 =	vmul.f32 $5.000000000e-01, v39;
	v56 =	vmul.f32 v54, v40;
	v47 =	vmax.f32 v41, $1.000000000e+00  }
0xa8: {  	v41 =	vmul.f32 $5.000000000e-01, v36;
	v53 =	vsub.s32 $0x5F3759DF, v63;
	v45 =	vsub.f32 $1.500000000e+00, v45  }
0xa9: {  	v52 =	vsub.s32 $0x5F3759DF, v59;
	v63 =	vmul.f32 v46, v61;
	v36 =	vmul.f32 $5.000000000e-01, v47  }
0xaa: {  	v60 =	vshra.s32 v47, $0x1;
	v39 =	vmul.f32 v52, v37;
	v61 =	vmul.f32 v54, v56  }
0xab: {  	v62 =	vmul.f32 v53, v41;
	v49 =	vsub.s32 $0x5F3759DF, v60;
	v47 =	vmul.f32 v44, v45  }
0xac: {  	v44 =	vmul.f32 v49, v36;
	v39 =	vmul.f32 v52, v39  }
0xad: {  	v45 =	vsub.f32 $1.500000000e+00, v63;
	v60 =	vmul.f32 v53, v62;
	v62 =	vmul.f32 v51, v57  }
0xae: {  	v55 =	vsub.f32 $1.500000000e+00, v61;
	v44 =	vmul.f32 v49, v44;
	v39 =	vsub.f32 $1.500000000e+00, v39  }
0xaf: {  	s28 =	simm.s32 $0x0;
	v48 =	vmul.f32 v46, v45;
	v63 =	vsub.f32 $1.500000000e+00, v60;
	v56 =	vsub.f32 $1.500000000e+00, v62  }
0xb0: {  	s9 =	smov.u32 s31;
	[tilespmem:s28+$0xCEB0] =	vst v50;
	v45 =	vmul.f32 v54, v55;
	v50 =	vsub.f32 $1.500000000e+00, v44;
	v39 =	vmul.f32 v52, v39  }
0xb1: {  	s30 =	simm.s32 $0x0;
	s31 =	simm.s32 $0xC;
	s29 =	simm.s32 $0x0;
	v46 =	vmul.f32 v53, v63;
	v44 =	vmul.f32 v51, v56  }
.LBB2_7:
0xb2: {  	v51 =	vld [tilespmem:s31+$0x3];
	s30 =	sadd.s32 $0x8, s30;
	v42 =	vmul.f32 v47, v42;
	v49 =	vmul.f32 v49, v50  }
0xb3: {  	v43 =	vmul.f32 v48, v43;
	v41 =	vmul.f32 v46, v41;
	v50 =	vld [tilespmem:s31+$0xFFFFFFFD];
	p0 =	slt.u32 s30, $0xC0  }
0xb4: {  	v40 =	vmul.f32 v45, v40;
	v38 =	vmul.f32 v44, v38;
	v52 =	vld [tilespmem:s31+$0xFFFFFFFE]  }
0xb5: {  	v37 =	vmul.f32 v39, v37;
	v36 =	vmul.f32 v49, v36;
	v53 =	vld [tilespmem:s31+$0xFFFFFFFF]  }
0xb6: {  	v42 =	vmul.f32 v42, v47;
	v43 =	vmul.f32 v43, v48;
	v54 =	vld [tilespmem:s31+$0x0]  }
0xb7: {  	v41 =	vmul.f32 v41, v46;
	v40 =	vmul.f32 v40, v45;
	v55 =	vld [tilespmem:s31+$0x1];
	(v2sf) =	vpush v51, $0x0  }
0xb8: {  	v38 =	vmul.f32 v38, v44;
	v37 =	vmul.f32 v37, v39;
	v51 =	vld [tilespmem:s31+$0x2];
	(v2sf) =	vpush v50, $0x0  }
0xb9: {  	v42 =	vsub.f32 $1.500000000e+00, v42;
	v36 =	vmul.f32 v36, v49;
	v50 =	vld [tilespmem:s31+$0xFFFFFFFC];
	(v2sf) =	vpush v52, $0x0  }
0xba: {  	v15 =	vmul.f32 v15, v32;
	v43 =	vsub.f32 $1.500000000e+00, v43;
	(v2sf) =	vpush v53, $0x0  }
0xbb: {  	v41 =	vsub.f32 $1.500000000e+00, v41;
	v42 =	vmul.f32 v42, v47;
	(v2sf) =	vpush v54, $0x0  }
0xbc: {  	v40 =	vsub.f32 $1.500000000e+00, v40;
	v43 =	vmul.f32 v43, v48;
	(v2sf) =	vpush v55, $0x0;
	[tilespmem:s28+$0xCE80] =	vst v15  }
0xbd: {  	v38 =	vsub.f32 $1.500000000e+00, v38;
	v15 =	vmul.f32 v41, v46;
	(v2sf) =	vpush v51, $0x0  }
0xbe: {  	v37 =	vsub.f32 $1.500000000e+00, v37;
	v40 =	vmul.f32 v40, v45;
	(v2sf) =	vpush v50, $0x0  }
0xbf: {  	v36 =	vsub.f32 $1.500000000e+00, v36;
	v38 =	vmul.f32 v38, v44;
	v41 =	vmul.f32 $8.000000000e+00, v42  }
0xc0: {  	v37 =	vmul.f32 v37, v39;
	v42 =	vmul.f32 $8.000000000e+00, v43  }
0xc1: {  	v36 =	vmul.f32 v36, v49;
	v15 =	vmul.f32 $8.000000000e+00, v15  }
0xc2: {  	v39 =	vmul.f32 $8.000000000e+00, v40;
	v38 =	vmul.f32 $8.000000000e+00, v38  }
0xc3: {  	v37 =	vmul.f32 $8.000000000e+00, v37;
	v40 =	vmul.f32 $8.000000000e+00, v36  }
0xc4: {  	v22 =	vmul.f32 v22, v41;
	v23 =	vmul.f32 v23, v41  }
0xc5: {  	v29 =	vmul.f32 v29, v41;
	v35 =	vmul.f32 v35, v41  }
0xc6: {  	v19 =	vmul.f32 v19, v42;
	v18 =	vmul.f32 v18, v42;
	s0 =	spop (v2sf);
	[tilespmem:s28+$0xCB00] =	vst v22  }
0xc7: {  	s29 =	sadd.s32 $0x1000, s29;
	v22 =	vmul.f32 v28, v42;
	s0 =	sand.u32 $0x3, s0;
	s8 =	spop (v2sf);
	[tilespmem:s28+$0xCB10] =	vst v23;
	v23 =	vmul.f32 v34, v42  }
0xc8: {  	s3 =	sshra.s32 s29, $0x2;
	v17 =	vmul.f32 v17, v15;
	v16 =	vmul.f32 v16, v15;
	s0 =	sshll.u32 s0, $0x5;
	s11 =	spop (v2sf);
	[tilespmem:s28+$0xCB20] =	vst v29  }
0xc9: {  	v26 =	vmul.f32 v26, v15;
	v28 =	vmul.f32 v33, v15;
	s8 =	sand.u32 $0x3, s8;
	s0 =	sadd.s32 s3, s0;
	s23 =	spop (v2sf);
	[tilespmem:s28+$0xCB30] =	vst v35  }
0xca: {  	v14 =	vmul.f32 v14, v39;
	v12 =	vmul.f32 v12, v39;
	s11 =	sand.u32 $0x3, s11;
	s23 =	sand.u32 $0x3, s23;
	v29 =	vld [tilespmem:s0+$0x680];
	s17 =	spop (v2sf);
	[tilespmem:s28+$0xCB80] =	vst v19  }
0xcb: {  	s8 =	sshll.u32 s8, $0x5;
	s17 =	sand.u32 $0x3, s17;
	s18 =	spop (v2sf);
	[tilespmem:s28+$0xCB90] =	vst v18;
	v18 =	vmul.f32 v24, v39;
	v24 =	vmul.f32 v31, v39  }
0xcc: {  	v10 =	vmul.f32 v10, v38;
	v11 =	vmul.f32 v11, v38;
	s11 =	sshll.u32 s11, $0x5;
	s18 =	sand.u32 $0x3, s18;
	v19 =	vld [tilespmem:s0+$0x690];
	s0 =	spop (v2sf);
	[tilespmem:s28+$0xCBA0] =	vst v22  }
0xcd: {  	v21 =	vmul.f32 v21, v38;
	v30 =	vmul.f32 v30, v38;
	s23 =	sshll.u32 s23, $0x5;
	s0 =	sand.u32 $0x3, s0;
	s15 =	spop (v2sf);
	[tilespmem:s28+$0xCBB0] =	vst v23  }
0xce: {  	v33 =	vmul.f32 v9, v37;
	v31 =	vmul.f32 v8, v37;
	s17 =	sshll.u32 s17, $0x5;
	s18 =	sshll.u32 s18, $0x5;
	s15 =	sand.u32 $0x3, s15;
	[tilespmem:s28+$0xCC00] =	vst v17  }
0xcf: {  	v20 =	vmul.f32 v20, v37;
	s1 =	sadd.s32 s3, s8;
	s0 =	sshll.u32 s0, $0x5;
	s15 =	sshll.u32 s15, $0x5;
	v15 =	vshll.u32 v29, $0x10;
	v8 =	vand.u32 $0xFFFF0000, v29;
	[tilespmem:s28+$0xCC10] =	vst v16  }
0xd0: {  	s5 =	sadd.s32 s3, s11;
	s23 =	sadd.s32 s3, s23;
	s15 =	sadd.s32 s3, s15;
	v9 =	vld [tilespmem:s1+$0x380];
	v16 =	vmul.f32 v15, v15;
	v17 =	vmul.f32 v8, v8;
	[tilespmem:s28+$0xCC20] =	vst v26  }
0xd1: {  	s11 =	sadd.s32 s3, s17;
	s8 =	sadd.s32 s3, s18;
	s0 =	sadd.s32 s3, s0;
	v26 =	vmul.f32 v27, v37;
	v27 =	vmul.f32 v7, v40;
	v23 =	vld [tilespmem:s15+$0x300];
	v22 =	vshll.u32 v19, $0x10;
	[tilespmem:s28+$0xCC30] =	vst v28  }
0xd2: {  	v34 =	vmul.f32 v6, v40;
	v7 =	vld [tilespmem:s5+$0x400];
	v16 =	vadd.f32 v17, v16;
	v17 =	vmul.f32 v22, v22;
	[tilespmem:s28+$0xCC80] =	vst v14  }
0xd3: {  	v13 =	vmul.f32 v13, v40;
	v25 =	vmul.f32 v25, v40;
	v36 =	vand.u32 $0xFFFF0000, v19;
	v6 =	vld [tilespmem:s23+$0x480];
	[tilespmem:s28+$0xCC90] =	vst v12  }
0xd4: {  	v35 =	vmul.f32 v4, v32;
	v14 =	vmul.f32 v36, v36;
	v28 =	vld [tilespmem:s11+$0x500];
	v12 =	vadd.f32 v17, v16;
	[tilespmem:s28+$0xCCA0] =	vst v18  }
0xd5: {  	v32 =	vmul.f32 v5, v32;
	v4 =	vmovc v8;
	v5 =	vmovc v22;
	v19 =	vshll.u32 v9, $0x10;
	v18 =	vand.u32 $0xFFFF0000, v9;
	v9 =	vld [tilespmem:s8+$0x580];
	[tilespmem:s28+$0xCCB0] =	vst v24  }
0xd6: {  	v22 =	vshll.u32 v23, $0x10;
	v23 =	vand.u32 $0xFFFF0000, v23;
	v24 =	vld [tilespmem:s0+$0x600];
	v29 =	vadd.f32 v12, v14;
	[tilespmem:s28+$0xCD00] =	vst v10  }
0xd7: {  	v37 =	vld [tilespmem:s15+$0x310];
	v38 =	vmul.f32 v22, v22;
	v17 =	vshll.u32 v7, $0x10;
	v16 =	vand.u32 $0xFFFF0000, v7;
	[tilespmem:s28+$0xCD10] =	vst v11  }
0xd8: {  	v39 =	vld [tilespmem:s1+$0x390];
	v14 =	vshll.u32 v6, $0x10;
	v12 =	vand.u32 $0xFFFF0000, v6;
	v6 =	vperm.xlane v29, v0;
	[tilespmem:s28+$0xCD20] =	vst v21  }
0xd9: {  	v40 =	vmul.f32 v23, v23;
	v41 =	vld [tilespmem:s5+$0x410];
	v10 =	vshll.u32 v28, $0x10;
	v11 =	vand.u32 $0xFFFF0000, v28;
	[tilespmem:s28+$0xCD30] =	vst v30  }
0xda: {  	v30 =	vld [tilespmem:s23+$0x490];
	v8 =	vshll.u32 v9, $0x10;
	v9 =	vand.u32 $0xFFFF0000, v9;
	v21 =	vadd.f32 v29, v6;
	[tilespmem:s28+$0xCD80] =	vst v31  }
0xdb: {  	v31 =	vmul.f32 v19, v19;
	v42 =	vld [tilespmem:s11+$0x510];
	v7 =	vshll.u32 v24, $0x10;
	v6 =	vand.u32 $0xFFFF0000, v24;
	[tilespmem:s28+$0xCD90] =	vst v33  }
0xdc: {  	v33 =	vmul.f32 v18, v18;
	v29 =	vshll.u32 v37, $0x10;
	v43 =	vld [tilespmem:s8+$0x590];
	v24 =	vperm.xlane v21, v1;
	[tilespmem:s28+$0xCDA0] =	vst v20  }
0xdd: {  	v44 =	vmul.f32 v17, v17;
	v45 =	vmul.f32 v16, v16;
	v28 =	vshll.u32 v39, $0x10;
	v46 =	vld [tilespmem:s0+$0x610];
	[tilespmem:s28+$0xCDB0] =	vst v26  }
0xde: {  	v47 =	vmul.f32 v14, v14;
	v48 =	vmul.f32 v12, v12;
	v49 =	vadd.f32 v21, v24;
	[tilespmem:s28+$0xCE00] =	vst v27  }
0xdf: {  	v50 =	vmul.f32 v11, v11;
	v26 =	vshll.u32 v41, $0x10;
	v27 =	vmul.f32 v10, v10;
	[tilespmem:s28+$0xCE10] =	vst v34  }
0xe0: {  	v24 =	vshll.u32 v30, $0x10;
	v34 =	vmul.f32 v8, v8;
	v51 =	vperm.xlane v49, v2;
	[tilespmem:s28+$0xCE20] =	vst v13  }
0xe1: {  	v52 =	vmul.f32 v9, v9;
	v53 =	vmul.f32 v7, v7;
	v21 =	vshll.u32 v42, $0x10;
	[tilespmem:s28+$0xCE30] =	vst v25  }
0xe2: {  	v20 =	vshll.u32 v43, $0x10;
	v25 =	vmul.f32 v6, v6;
	v49 =	vadd.f32 v49, v51;
	[tilespmem:s28+$0xCE90] =	vst v35  }
0xe3: {  	v38 =	vadd.f32 v40, v38;
	v40 =	vadd.f32 v33, v31;
	v13 =	vshll.u32 v46, $0x10;
	[tilespmem:s28+$0xCEA0] =	vst v32;
	s28 =	smov.u32 s3  }
0xe4: {  	v32 =	vadd.f32 v45, v44;
	v44 =	vadd.f32 v48, v47;
	v31 =	vperm.xlane v49, v3  }
0xe5: {  	v45 =	vmul.f32 v29, v29;
	v47 =	vadd.f32 v50, v27;
	v48 =	vadd.f32 v52, v34  }
0xe6: {  	v50 =	vmul.f32 v28, v28;
	v51 =	vadd.f32 v25, v53;
	v25 =	vadd.f32 v49, v31  }
0xe7: {  	v35 =	vand.u32 $0xFFFF0000, v37;
	v37 =	vmul.f32 v26, v26;
	v49 =	vmul.f32 v24, v24  }
0xe8: {  	v52 =	vmul.f32 v21, v21;
	v53 =	vmul.f32 v20, v20;
	v25 =	vmax.f32 v25, $1.000000000e+00  }
0xe9: {  	v54 =	vmul.f32 v13, v13;
	v27 =	vshra.s32 v25, $0x1;
	v55 =	vmul.f32 $5.000000000e-01, v25  }
0xea: {  	v33 =	vand.u32 $0xFFFF0000, v41;
	v34 =	vand.u32 $0xFFFF0000, v39;
	v39 =	vsub.s32 $0x5F3759DF, v27  }
0xeb: {  	v31 =	vand.u32 $0xFFFF0000, v30;
	v30 =	vand.u32 $0xFFFF0000, v42;
	v41 =	vmul.f32 v39, v55  }
0xec: {  	v38 =	vadd.f32 v45, v38;
	v25 =	vand.u32 $0xFFFF0000, v46;
	v27 =	vand.u32 $0xFFFF0000, v43  }
0xed: {  	v40 =	vadd.f32 v50, v40;
	v32 =	vadd.f32 v37, v32;
	v37 =	vmul.f32 v39, v41  }
0xee: {  	v42 =	vadd.f32 v49, v44;
	v43 =	vadd.f32 v52, v47;
	v41 =	vmul.f32 v35, v35  }
0xef: {  	v45 =	vadd.f32 v53, v48;
	v44 =	vmul.f32 v34, v34;
	v37 =	vsub.f32 $1.500000000e+00, v37  }
0xf0: {  	v48 =	vadd.f32 v54, v51;
	v46 =	vmul.f32 v33, v33;
	v47 =	vmul.f32 v31, v31  }
0xf1: {  	v38 =	vadd.f32 v38, v41;
	v41 =	vmul.f32 v30, v30;
	v37 =	vmul.f32 v39, v37  }
0xf2: {  	v39 =	vadd.f32 v40, v44;
	v40 =	vmul.f32 v27, v27;
	v44 =	vmul.f32 v25, v25  }
0xf3: {  	v32 =	vadd.f32 v32, v46;
	v42 =	vadd.f32 v42, v47;
	v46 =	vmul.f32 v37, v55  }
0xf4: {  	v47 =	vperm.xlane v38, v0;
	v41 =	vadd.f32 v43, v41;
	v40 =	vadd.f32 v45, v40  }
0xf5: {  	v43 =	vperm.xlane v39, v0;
	v44 =	vadd.f32 v48, v44;
	v45 =	vmul.f32 v46, v37  }
0xf6: {  	v38 =	vadd.f32 v38, v47;
	v47 =	vperm.xlane v42, v0;
	v46 =	vperm.xlane v32, v0  }
0xf7: {  	v48 =	vperm.xlane v41, v0;
	v49 =	vperm.xlane v40, v0;
	v45 =	vsub.f32 $1.500000000e+00, v45  }
0xf8: {  	v39 =	vadd.f32 v39, v43;
	v43 =	vadd.f32 v32, v46;
	v32 =	vperm.xlane v44, v0  }
0xf9: {  	v42 =	vadd.f32 v42, v47;
	v41 =	vadd.f32 v41, v48;
	v37 =	vmul.f32 v45, v37  }
0xfa: {  	v40 =	vadd.f32 v40, v49;
	v45 =	vperm.xlane v38, v1;
	v44 =	vadd.f32 v44, v32  }
0xfb: {  	v46 =	vperm.xlane v39, v1;
	v32 =	vmul.f32 $8.000000000e+00, v37  }
0xfc: {  	v37 =	vadd.f32 v38, v45;
	v38 =	vperm.xlane v43, v1;
	v45 =	vperm.xlane v42, v1  }
0xfd: {  	v39 =	vadd.f32 v39, v46;
	v46 =	vperm.xlane v41, v1;
	v36 =	vmul.f32 v36, v32  }
0xfe: {  	v47 =	vperm.xlane v44, v1;
	v38 =	vadd.f32 v43, v38;
	v43 =	vperm.xlane v40, v1  }
0xff: {  	v41 =	vadd.f32 v41, v46;
	v48 =	vperm.xlane v37, v2;
	v42 =	vadd.f32 v42, v45;
	[tilespmem:s28+$0xCEB0] =	vst v36  }
0x100: {  	v36 =	vperm.xlane v39, v2;
	v40 =	vadd.f32 v40, v43;
	v43 =	vadd.f32 v44, v47  }
0x101: {  	v37 =	vadd.f32 v37, v48;
	v44 =	vperm.xlane v38, v2;
	v45 =	vperm.xlane v42, v2  }
0x102: {  	v36 =	vadd.f32 v39, v36;
	v39 =	vperm.xlane v41, v2;
	v46 =	vperm.xlane v40, v2  }
0x103: {  	v38 =	vadd.f32 v38, v44;
	v42 =	vadd.f32 v42, v45;
	v44 =	vperm.xlane v43, v2  }
0x104: {  	v45 =	vperm.xlane v37, v3;
	v39 =	vadd.f32 v41, v39;
	v40 =	vadd.f32 v40, v46  }
0x105: {  	v41 =	vperm.xlane v36, v3;
	v46 =	vperm.xlane v38, v3;
	v43 =	vadd.f32 v43, v44  }
0x106: {  	v37 =	vadd.f32 v37, v45;
	v44 =	vperm.xlane v42, v3;
	v45 =	vperm.xlane v39, v3  }
0x107: {  	v36 =	vadd.f32 v36, v41;
	v41 =	vperm.xlane v40, v3;
	v47 =	vperm.xlane v43, v3  }
0x108: {  	v37 =	vmax.f32 v37, $1.000000000e+00;
	v38 =	vadd.f32 v38, v46;
	v42 =	vadd.f32 v42, v44  }
0x109: {  	v36 =	vmax.f32 v36, $1.000000000e+00;
	v39 =	vadd.f32 v39, v45;
	v40 =	vadd.f32 v40, v41  }
0x10a: {  	v38 =	vmax.f32 v38, $1.000000000e+00;
	v44 =	vmax.f32 v42, $1.000000000e+00;
	v41 =	vadd.f32 v43, v47  }
0x10b: {  	v45 =	vshra.s32 v37, $0x1;
	v39 =	vmax.f32 v39, $1.000000000e+00;
	v46 =	vmax.f32 v40, $1.000000000e+00  }
0x10c: {  	v42 =	vmul.f32 $5.000000000e-01, v37;
	v47 =	vshra.s32 v36, $0x1;
	v48 =	vmax.f32 v41, $1.000000000e+00  }
0x10d: {  	v43 =	vmul.f32 $5.000000000e-01, v36;
	v49 =	vshra.s32 v38, $0x1;
	v41 =	vmul.f32 $5.000000000e-01, v38  }
0x10e: {  	v50 =	vshra.s32 v44, $0x1;
	v40 =	vmul.f32 $5.000000000e-01, v44;
	v44 =	vshra.s32 v39, $0x1  }
0x10f: {  	v38 =	vmul.f32 $5.000000000e-01, v39;
	v39 =	vshra.s32 v46, $0x1;
	v37 =	vmul.f32 $5.000000000e-01, v46  }
0x110: {  	v45 =	vsub.s32 $0x5F3759DF, v45;
	v46 =	vshra.s32 v48, $0x1;
	v36 =	vmul.f32 $5.000000000e-01, v48  }
0x111: {  	v51 =	vsub.s32 $0x5F3759DF, v49;
	v50 =	vsub.s32 $0x5F3759DF, v50;
	v48 =	vsub.s32 $0x5F3759DF, v47  }
0x112: {  	v44 =	vsub.s32 $0x5F3759DF, v44;
	v39 =	vsub.s32 $0x5F3759DF, v39;
	v49 =	vsub.s32 $0x5F3759DF, v46  }
0x113: {  	v46 =	vmul.f32 v45, v42;
	v47 =	vmul.f32 v48, v43  }
0x114: {  	v52 =	vmul.f32 v51, v41;
	v53 =	vmul.f32 v50, v40  }
0x115: {  	v54 =	vmul.f32 v44, v38;
	v55 =	vmul.f32 v39, v37  }
0x116: {  	v56 =	vmul.f32 v49, v36;
	v46 =	vmul.f32 v45, v46  }
0x117: {  	v47 =	vmul.f32 v48, v47;
	v52 =	vmul.f32 v51, v52  }
0x118: {  	v53 =	vmul.f32 v50, v53;
	v54 =	vmul.f32 v44, v54;
	v46 =	vsub.f32 $1.500000000e+00, v46  }
.Ltmp2:
0x119: {  	v55 =	vmul.f32 v39, v55;
	v56 =	vmul.f32 v49, v56;
	v57 =	vsub.f32 $1.500000000e+00, v47;
	(pc) =	sbr.rel @p0 .LBB2_7-.Ltmp2, $4  }
0x11a: {  	v47 =	vmul.f32 v45, v46;
	v45 =	vsub.f32 $1.500000000e+00, v52;
	v52 =	vsub.f32 $1.500000000e+00, v53  }
0x11b: {  	v48 =	vmul.f32 v48, v57;
	v53 =	vsub.f32 $1.500000000e+00, v54;
	v54 =	vsub.f32 $1.500000000e+00, v55  }
0x11c: {  	v46 =	vmul.f32 v51, v45;
	v45 =	vmul.f32 v50, v52;
	v50 =	vsub.f32 $1.500000000e+00, v56  }
0x11d: {  	s31 =	sadd.s32 $0x8, s31;
	v44 =	vmul.f32 v44, v53;
	v39 =	vmul.f32 v39, v54  }
0x11e: {  	v42 =	vmul.f32 v47, v42;
	_ =	sdelay $0x1  }
0x11f: {  	v42 =	vmul.f32 v42, v47;
	_ =	sdelay $0x1  }
0x120: {  	v43 =	vmul.f32 v48, v43;
	v42 =	vsub.f32 $1.500000000e+00, v42  }
0x121: {  	v41 =	vmul.f32 v46, v41  }
0x122: {  	v43 =	vmul.f32 v43, v48;
	v42 =	vmul.f32 v42, v47  }
0x123: {  	v15 =	vmul.f32 v15, v32;
	v40 =	vmul.f32 v45, v40  }
0x124: {  	v4 =	vmul.f32 v4, v32;
	v43 =	vsub.f32 $1.500000000e+00, v43;
	v42 =	vmul.f32 $8.000000000e+00, v42  }
0x125: {  	v5 =	vmul.f32 v5, v32;
	v41 =	vmul.f32 v41, v46;
	[tilespmem:s28+$0xCE80] =	vst v15  }
0x126: {  	[tilespmem:s28+$0xCE90] =	vst v4;
	v43 =	vmul.f32 v43, v48;
	v22 =	vmul.f32 v22, v42  }
0x127: {  	v63 =	vmul.f32 v40, v45;
	[tilespmem:s28+$0xCEA0] =	vst v5;
	v61 =	vsub.f32 $1.500000000e+00, v41;
	v60 =	vmul.f32 v23, v42  }
0x128: {  	v62 =	vmul.f32 $8.000000000e+00, v43;
	v29 =	vmul.f32 v29, v42;
	[tilespmem:s28+$0xCB00] =	vst v22  }
0x129: {  	v40 =	vmul.f32 v61, v46;
	v35 =	vmul.f32 v35, v42;
	[tilespmem:s28+$0xCB10] =	vst v60  }
0x12a: {  	v47 =	vmul.f32 v49, v50;
	v19 =	vmul.f32 v19, v62;
	[tilespmem:s28+$0xCB20] =	vst v29  }
0x12b: {  	v15 =	vmul.f32 $8.000000000e+00, v40;
	v18 =	vmul.f32 v18, v62;
	[tilespmem:s28+$0xCB30] =	vst v35  }
0x12c: {  	v42 =	vmul.f32 v44, v38;
	v28 =	vmul.f32 v28, v62;
	v22 =	vsub.f32 $1.500000000e+00, v63;
	[tilespmem:s28+$0xCB80] =	vst v19  }
0x12d: {  	v46 =	vmul.f32 v34, v62;
	v17 =	vmul.f32 v17, v15;
	[tilespmem:s28+$0xCB90] =	vst v18  }
0x12e: {  	v43 =	vmul.f32 v42, v44;
	[tilespmem:s28+$0xCBA0] =	vst v28;
	v48 =	vmul.f32 v22, v45  }
0x12f: {  	v49 =	vmul.f32 v39, v37;
	v16 =	vmul.f32 v16, v15;
	[tilespmem:s28+$0xCBB0] =	vst v46  }
0x130: {  	v50 =	vmul.f32 v26, v15;
	[tilespmem:s28+$0xCC00] =	vst v17;
	v19 =	vsub.f32 $1.500000000e+00, v43;
	v18 =	vmul.f32 $8.000000000e+00, v48  }
0x131: {  	v51 =	vmul.f32 v49, v39;
	v15 =	vmul.f32 v33, v15;
	[tilespmem:s28+$0xCC10] =	vst v16  }
0x132: {  	[tilespmem:s28+$0xCC20] =	vst v50;
	v52 =	vmul.f32 v19, v44;
	v14 =	vmul.f32 v14, v18  }
0x133: {  	v53 =	vmul.f32 v47, v36;
	[tilespmem:s28+$0xCC30] =	vst v15;
	v12 =	vmul.f32 v12, v18  }
0x134: {  	v54 =	vsub.f32 $1.500000000e+00, v51;
	v16 =	vmul.f32 $8.000000000e+00, v52;
	v55 =	vmul.f32 v24, v18;
	[tilespmem:s28+$0xCC80] =	vst v14  }
0x135: {  	v56 =	vmul.f32 v53, v47;
	v18 =	vmul.f32 v31, v18;
	[tilespmem:s28+$0xCC90] =	vst v12  }
0x136: {  	v57 =	vmul.f32 v54, v39;
	v10 =	vmul.f32 v10, v16;
	[tilespmem:s28+$0xCCA0] =	vst v55  }
0x137: {  	v11 =	vmul.f32 v11, v16;
	[tilespmem:s28+$0xCCB0] =	vst v18  }
0x138: {  	v14 =	vsub.f32 $1.500000000e+00, v56;
	v12 =	vmul.f32 $8.000000000e+00, v57;
	v58 =	vmul.f32 v21, v16;
	[tilespmem:s28+$0xCD00] =	vst v10  }
0x139: {  	v59 =	vmul.f32 v30, v16;
	[tilespmem:s28+$0xCD10] =	vst v11  }
0x13a: {  	v60 =	vmul.f32 v14, v47;
	v8 =	vmul.f32 v8, v12;
	[tilespmem:s28+$0xCD20] =	vst v58  }
0x13b: {  	v9 =	vmul.f32 v9, v12;
	[tilespmem:s28+$0xCD30] =	vst v59  }
0x13c: {  	v62 =	vmul.f32 v20, v12;
	v61 =	vmul.f32 $8.000000000e+00, v60;
	[tilespmem:s28+$0xCD80] =	vst v8  }
0x13d: {  	v8 =	vmul.f32 v27, v12;
	[tilespmem:s28+$0xCD90] =	vst v9  }
0x13e: {  	[tilespmem:s28+$0xCDA0] =	vst v62;
	v7 =	vmul.f32 v7, v61  }
0x13f: {  	s0 =	sshll.u32 s24, $0x3;
	v6 =	vmul.f32 v6, v61;
	[tilespmem:s28+$0xCDB0] =	vst v8  }
0x140: {  	s0 =	sadd.s32 s7, s0;
	v8 =	vmul.f32 v13, v61;
	[tilespmem:s28+$0xCE00] =	vst v7  }
0x141: {  	s1 =	smul.u32 $0x380, s0;
	v7 =	vmul.f32 v25, v61;
	[tilespmem:s28+$0xCE10] =	vst v6  }
0x142: {  	[tilespmem:s28+$0xCE20] =	vst v8  }
0x143: {  	s3 =	sadd.s32 s6, s1;
	[tilespmem:s28+$0xCE30] =	vst v7  }
0x144: {  	[hbm4b:s3+s4] =	stream.linear.scatter [tilespmem:s19], [sflag:$0x2], $0x1900, $0x38;
	[tilespmem:$0x12F00] =	vst v63  }
0x145: {  	_ =	swait.ge [sflag:s12], $0x1900  }
0x146: {  	[sflag:s12] =	ssyncset.done $0x0;
	s23 =	rddreg [dreg:$0x5]  }
0x147: {  	s0 =	smul.u32 $0x1C00, s0;
	[sflag:s12] =	ssyncadd.s32 $0xFFFFE700;
	s1 =	sadd.s32 s1, s23  }
0x148: {  	[hbm4b:s1+s4] =	stream.linear.scatter [tilespmem:s20], [sflag:$0x2], $0x1900, $0x38;
	[tilespmem:$0x12F00] =	vst v63  }
0x149: {  	s0 =	sshrl.u32 s0, $0x3;
	_ =	swait.ge [sflag:s12], $0x1900  }
0x14a: {  	s0 =	sadd.s32 s6, s0;
	[sflag:s12] =	ssyncset.done $0x0  }
0x14b: {  	s28 =	sadd.s32 $0x700, s0;
	[sflag:s12] =	ssyncadd.s32 $0xFFFFE700  }
0x14c: {  	[hbm4b:s28+s4] =	stream.linear.scatter [tilespmem:s21], [sflag:$0x2], $0x1900, $0x38;
	[tilespmem:$0x12F00] =	vst v63  }
0x14d: {  	_ =	swait.ge [sflag:s12], $0x1900  }
0x14e: {  	[sflag:s12] =	ssyncset.done $0x0  }
0x14f: {  	s0 =	sadd.s32 $0xA80, s0;
	[sflag:s12] =	ssyncadd.s32 $0xFFFFE700  }
0x150: {  	[hbm4b:s0+s4] =	stream.linear.scatter [tilespmem:s22], [sflag:$0x2], $0x1900, $0x38;
	[tilespmem:$0x12F00] =	vst v63  }
0x151: {  	_ =	swait.ge [sflag:s12], $0x1900  }
0x152: {  	[sflag:s12] =	ssyncset.done $0x0  }
0x153: {  	s29 =	smin.u32 s26, $0x7D;
	[sflag:s12] =	ssyncadd.s32 $0xFFFFE700  }
0x154: {  	s0 =	smul.u32 $0xC8, s29;
	_ =	swait.ge [sflag:s16], $0x6400  }
0x155: {  	s30 =	rddreg [dreg:$0x6]  }
0x156: {  	s0 =	sadd.s32 s0, s30  }
0x157: {  	[sflag:s16] =	ssyncset.done $0x0;
	s0 =	sshrl.u32 s0, $0x3  }
0x158: {  	[sflag:s16] =	ssyncadd.s32 $0xFFFF9C00;
	s0 =	sadd.s32 s2, s0  }
0x159: {  	[tilespmem:s4], [sflag:$0x2] =	stream.linear.gather [hbm4b:s0+s4], $0xC8, $0x38;
	[tilespmem:$0x12F00] =	vst v63  }
0x15a: {  	_ =	swait.ge [sflag:s12], $0xC8  }
0x15b: {  	[sflag:s12] =	ssyncset.done $0x0  }
0x15c: {  	s31 =	simm.s32 $0x20;
	[sflag:s12] =	ssyncadd.s32 $0xFFFFFF38  }
0x15d: {  	v4 =	vld [tilespmem:s31+$0xFFFFFFE0]  }
0x15e: {  	v6 =	vld [tilespmem:s31+$0x0]  }
0x15f: {  	v5 =	vld [tilespmem:s31+$0x10]  }
0x160: {  	v7 =	vld [tilespmem:s31+$0xFFFFFFF0];
	_ =	sdelay $0x1  }
0x161: {  	s3 =	simm.s32 $0x60;
	s0 =	simm.s32 $0x220;
	v8 =	vshrl.u32 v4, $0x2  }
0x162: {  	v4 =	vld [tilespmem:s3+$0xFFFFFFE0];
	v63 =	vshrl.u32 v6, $0x2;
	[tilespmem:s0+$0xFFFFFFE0] =	vst v8  }
0x163: {  	v6 =	vld [tilespmem:s3+$0x0];
	v8 =	vshrl.u32 v5, $0x2;
	[tilespmem:s0+$0x0] =	vst v63  }
0x164: {  	s18 =	smov.u32 s2;
	s8 =	simm.s32 $0x4;
	v7 =	vshrl.u32 v7, $0x2;
	v5 =	vld [tilespmem:s3+$0x10];
	[tilespmem:s0+$0x10] =	vst v8  }
.LBB2_9:
0x165: {  	s8 =	sadd.s32 $0x4, s8  }
0x166: {  	v8 =	vld [tilespmem:s3+$0xFFFFFFF0];
	[tilespmem:s0+$0xFFFFFFF0] =	vst v7;
	s0 =	sadd.s32 $0x40, s0;
	p0 =	slt.u32 s8, $0x8  }
.Ltmp3:
0x167: {  	(pc) =	sbr.rel @p0 .LBB2_9-.Ltmp3, $4  }
0x168: {  	s3 =	sadd.s32 $0x40, s3;
	v7 =	vshrl.u32 v4, $0x2  }
0x169: {  	v4 =	vld [tilespmem:s3+$0xFFFFFFE0];
	[tilespmem:s0+$0xFFFFFFE0] =	vst v7;
	v7 =	vshrl.u32 v5, $0x2  }
0x16a: {  	v5 =	vld [tilespmem:s3+$0x10];
	v9 =	vshrl.u32 v6, $0x2;
	[tilespmem:s0+$0x10] =	vst v7  }
0x16b: {  	v6 =	vld [tilespmem:s3+$0x0];
	v7 =	vshrl.u32 v8, $0x2;
	[tilespmem:s0+$0x0] =	vst v9  }
0x16c: {  	v8 =	vld [tilespmem:s3+$0xFFFFFFF0];
	_ =	sdelay $0x1  }
0x16d: {  	[tilespmem:s0+$0xFFFFFFF0] =	vst v7;
	s8 =	sadd.s32 $0x40, s0;
	v4 =	vshrl.u32 v4, $0x2  }
0x16e: {  	[tilespmem:s8+$0xFFFFFFE0] =	vst v4;
	v4 =	vshrl.u32 v5, $0x2  }
0x16f: {  	v5 =	vshrl.u32 v6, $0x2;
	[tilespmem:s8+$0x10] =	vst v4  }
0x170: {  	v4 =	vshrl.u32 v8, $0x2;
	[tilespmem:s8+$0x0] =	vst v5  }
0x171: {  	[tilespmem:s8+$0xFFFFFFF0] =	vst v4  }
0x172: {  	v4 =	vld [tilespmem:$0xB8];
	_ =	sdelay $0x4  }
0x173: {  	v4 =	vshrl.u32 v4, $0x2  }
0x174: {  	s11 =	simm.s32 $0x300;
	s15 =	simm.s32 $0x104;
	[tilespmem:$0x2B8] =	vst v4  }
0x175: {  	[tilespmem:s11], [sflag:$0x1] =	stream.indirect.gather [hbm4b:s9+s13], $0x80, s14, s13, $0xb8;
	[tilespmem:$0x12F00] =	vst v63  }
0x176: {  	v4 =	vld [tilespmem:s15+$0x3];
	_ =	sdelay $0x1  }
0x177: {  	v5 =	vld [tilespmem:s15+$0xFFFFFFFD];
	_ =	sdelay $0x1  }
0x178: {  	v6 =	vld [tilespmem:s15+$0xFFFFFFFE]  }
0x179: {  	(v2sf) =	vpush v4, $0x0  }
0x17a: {  	v7 =	vld [tilespmem:s15+$0xFFFFFFFF]  }
0x17b: {  	(v2sf) =	vpush v5, $0x0;
	_ =	sdelay $0x1  }
0x17c: {  	v8 =	vld [tilespmem:s15+$0x0];
	(v2sf) =	vpush v6, $0x0  }
0x17d: {  	v9 =	vld [tilespmem:s15+$0x1]  }
0x17e: {  	v4 =	vld [tilespmem:s15+$0x2];
	(v2sf) =	vpush v7, $0x0  }
0x17f: {  	v5 =	vld [tilespmem:s15+$0xFFFFFFFC];
	_ =	sdelay $0x1  }
0x180: {  	(v2sf) =	vpush v8, $0x0  }
0x181: {  	(v2sf) =	vpush v9, $0x0  }
0x182: {  	(v2sf) =	vpush v4, $0x0  }
0x183: {  	(v2sf) =	vpush v5, $0x0;
	_ =	sdelay $0x2  }
0x184: {  	s17 =	spop (v2sf)  }
0x185: {  	s0 =	sand.u32 $0x3, s17  }
0x186: {  	s1 =	spop (v2sf);
	s0 =	sshll.u32 s0, $0x5  }
0x187: {  	s1 =	sand.u32 $0x3, s1;
	s0 =	sadd.s32 $0x0, s0  }
0x188: {  	s23 =	spop (v2sf);
	s1 =	sshll.u32 s1, $0x5;
	v4 =	vld [tilespmem:s0+$0x6A80]  }
0x189: {  	s3 =	sand.u32 $0x3, s23;
	v6 =	vld [tilespmem:s0+$0x6A90];
	s1 =	sadd.s32 $0x0, s1  }
0x18a: {  	s5 =	spop (v2sf);
	s3 =	sshll.u32 s3, $0x5;
	v7 =	vld [tilespmem:s1+$0x6780]  }
0x18b: {  	s5 =	sand.u32 $0x3, s5;
	s3 =	sadd.s32 $0x0, s3;
	v30 =	vld [tilespmem:s1+$0x6790]  }
0x18c: {  	s5 =	sshll.u32 s5, $0x5;
	v11 =	vld [tilespmem:s3+$0x6800]  }
0x18d: {  	s8 =	spop (v2sf);
	s5 =	sadd.s32 $0x0, s5;
	v32 =	vld [tilespmem:s3+$0x6810]  }
0x18e: {  	s11 =	spop (v2sf);
	s8 =	sand.u32 $0x3, s8;
	v12 =	vld [tilespmem:s5+$0x6880];
	v15 =	vshll.u32 v4, $0x10;
	v4 =	vand.u32 $0xFFFF0000, v4  }
0x18f: {  	s26 =	spop (v2sf);
	s8 =	sshll.u32 s8, $0x5;
	v5 =	vshll.u32 v6, $0x10;
	v36 =	vand.u32 $0xFFFF0000, v6;
	v8 =	vmul.f32 v15, v15  }
0x190: {  	s11 =	sand.u32 $0x3, s11;
	s15 =	spop (v2sf);
	s8 =	sadd.s32 $0x0, s8;
	v37 =	vld [tilespmem:s5+$0x6890];
	v9 =	vmul.f32 v4, v4;
	v19 =	vshll.u32 v7, $0x10;
	v18 =	vand.u32 $0xFFFF0000, v7  }
0x191: {  	s11 =	sshll.u32 s11, $0x5;
	s15 =	sand.u32 $0x3, s15;
	v38 =	vld [tilespmem:s8+$0x6910];
	v28 =	vshll.u32 v30, $0x10;
	v17 =	vshll.u32 v11, $0x10;
	v16 =	vand.u32 $0xFFFF0000, v11  }
0x192: {  	s0 =	sand.u32 $0x3, s26;
	s11 =	sadd.s32 $0x0, s11;
	s15 =	sshll.u32 s15, $0x5;
	v6 =	vld [tilespmem:s8+$0x6900];
	v33 =	vmul.f32 v18, v18;
	v26 =	vshll.u32 v32, $0x10;
	v59 =	vmul.f32 v28, v28  }
0x193: {  	s0 =	sshll.u32 s0, $0x5;
	v13 =	vld [tilespmem:s11+$0x6980];
	s15 =	sadd.s32 $0x0, s15;
	v8 =	vadd.f32 v9, v8;
	v9 =	vmul.f32 v5, v5;
	v14 =	vshll.u32 v12, $0x10  }
0x194: {  	s0 =	sadd.s32 $0x0, s0;
	v10 =	vld [tilespmem:s15+$0x6700];
	v12 =	vand.u32 $0xFFFF0000, v12;
	v34 =	vmul.f32 v17, v17;
	v35 =	vmul.f32 v16, v16  }
0x195: {  	v20 =	vld [tilespmem:s0+$0x6A00];
	v24 =	vshll.u32 v37, $0x10;
	v60 =	vmul.f32 v26, v26;
	v40 =	vmul.f32 v14, v14  }
0x196: {  	v25 =	vld [tilespmem:s15+$0x6710];
	v43 =	vmul.f32 v12, v12;
	v8 =	vadd.f32 v9, v8;
	v9 =	vmul.f32 v36, v36  }
0x197: {  	v61 =	vmul.f32 v24, v24;
	v11 =	vand.u32 $0xFFFF0000, v6;
	v51 =	vadd.f32 v35, v34  }
0x198: {  	v34 =	vand.u32 $0xFFFF0000, v30;
	v30 =	vand.u32 $0xFFFF0000, v38;
	v7 =	vadd.f32 v8, v9  }
0x199: {  	v45 =	vmul.f32 v11, v11;
	v40 =	vadd.f32 v43, v40;
	v22 =	vshll.u32 v10, $0x10  }
0x19a: {  	v23 =	vand.u32 $0xFFFF0000, v10;
	v10 =	vshll.u32 v6, $0x10;
	v9 =	vperm.xlane v7, v0  }
0x19b: {  	v8 =	vshll.u32 v13, $0x10;
	v6 =	vand.u32 $0xFFFF0000, v20;
	v29 =	vshll.u32 v25, $0x10  }
0x19c: {  	v27 =	vmul.f32 v22, v22;
	v31 =	vmul.f32 v23, v23;
	v21 =	vadd.f32 v7, v9  }
0x19d: {  	v35 =	vand.u32 $0xFFFF0000, v25;
	v44 =	vmul.f32 v10, v10;
	v47 =	vmul.f32 v8, v8  }
0x19e: {  	v39 =	vld [tilespmem:s11+$0x6990];
	v57 =	vmul.f32 v6, v6;
	v7 =	vshll.u32 v20, $0x10;
	v20 =	vperm.xlane v21, v1  }
0x19f: {  	v58 =	vmul.f32 v29, v29;
	v40 =	vadd.f32 v61, v40;
	v61 =	vmul.f32 v34, v34  }
0x1a0: {  	v27 =	vadd.f32 v31, v27;
	v9 =	vand.u32 $0xFFFF0000, v13;
	v41 =	vadd.f32 v21, v20  }
0x1a1: {  	v42 =	vld [tilespmem:s0+$0x6A10];
	v44 =	vadd.f32 v45, v44;
	v13 =	vmul.f32 v19, v19;
	v48 =	vmul.f32 v9, v9  }
0x1a2: {  	v49 =	vmul.f32 v7, v7;
	v56 =	vadd.f32 v58, v27;
	v46 =	vperm.xlane v41, v2  }
0x1a3: {  	v27 =	vand.u32 $0xFFFF0000, v39;
	v58 =	vadd.f32 v60, v51;
	v50 =	vadd.f32 v33, v13  }
0x1a4: {  	v21 =	vshll.u32 v38, $0x10;
	v20 =	vshll.u32 v39, $0x10;
	v41 =	vadd.f32 v41, v46  }
0x1a5: {  	v45 =	vadd.f32 v48, v47;
	v62 =	vmul.f32 v21, v21;
	v52 =	vmul.f32 v20, v20  }
0x1a6: {  	v13 =	vshll.u32 v42, $0x10;
	v33 =	vand.u32 $0xFFFF0000, v32;
	v31 =	vperm.xlane v41, v3  }
0x1a7: {  	v60 =	vadd.f32 v62, v44;
	v45 =	vadd.f32 v52, v45;
	v62 =	vmul.f32 v33, v33  }
0x1a8: {  	v54 =	vmul.f32 v13, v13;
	v31 =	vadd.f32 v41, v31;
	v41 =	vadd.f32 v57, v49  }
0x1a9: {  	v52 =	vmul.f32 v30, v30;
	v39 =	vadd.f32 v58, v62;
	v57 =	vadd.f32 v59, v50  }
0x1aa: {  	v59 =	vmul.f32 v35, v35;
	v25 =	vmax.f32 v31, $1.000000000e+00;
	v41 =	vadd.f32 v54, v41  }
0x1ab: {  	v54 =	vmul.f32 v27, v27;
	v31 =	vshra.s32 v25, $0x1;
	v53 =	vmul.f32 $5.000000000e-01, v25  }
0x1ac: {  	v55 =	vsub.s32 $0x5F3759DF, v31;
	v31 =	vand.u32 $0xFFFF0000, v37;
	v37 =	vadd.f32 v56, v59  }
0x1ad: {  	v38 =	vadd.f32 v57, v61;
	v61 =	vperm.xlane v39, v0;
	v63 =	vmul.f32 v55, v53  }
0x1ae: {  	v25 =	vand.u32 $0xFFFF0000, v42;
	v42 =	vadd.f32 v60, v52;
	v57 =	vperm.xlane v37, v0  }
0x1af: {  	v58 =	vadd.f32 v45, v54;
	v59 =	vperm.xlane v38, v0;
	v32 =	vmul.f32 v55, v63  }
0x1b0: {  	v39 =	vadd.f32 v39, v61;
	v63 =	vmul.f32 v31, v31;
	v37 =	vadd.f32 v37, v57  }
0x1b1: {  	v52 =	vperm.xlane v58, v0;
	v38 =	vadd.f32 v38, v59;
	v32 =	vsub.f32 $1.500000000e+00, v32  }
0x1b2: {  	v40 =	vadd.f32 v40, v63;
	v63 =	vperm.xlane v42, v0;
	v54 =	vperm.xlane v37, v1  }
0x1b3: {  	v43 =	vadd.f32 v58, v52;
	v32 =	vmul.f32 v55, v32;
	v55 =	vmul.f32 v25, v25  }
0x1b4: {  	v62 =	vperm.xlane v40, v0;
	v42 =	vadd.f32 v42, v63;
	v37 =	vadd.f32 v37, v54  }
0x1b5: {  	v56 =	vmul.f32 v32, v53;
	v41 =	vadd.f32 v41, v55;
	v55 =	vperm.xlane v38, v1  }
0x1b6: {  	v40 =	vadd.f32 v40, v62;
	v58 =	vperm.xlane v42, v1;
	v62 =	vperm.xlane v37, v2  }
0x1b7: {  	v60 =	vmul.f32 v56, v32;
	v53 =	vperm.xlane v41, v0  }
0x1b8: {  	v56 =	vperm.xlane v39, v1;
	v38 =	vadd.f32 v38, v55;
	v42 =	vadd.f32 v42, v58  }
0x1b9: {  	v57 =	vperm.xlane v40, v1;
	v37 =	vadd.f32 v37, v62;
	v45 =	vsub.f32 $1.500000000e+00, v60  }
0x1ba: {  	v41 =	vadd.f32 v41, v53;
	v60 =	vperm.xlane v43, v1;
	v63 =	vperm.xlane v38, v2  }
0x1bb: {  	v59 =	vadd.f32 v39, v56;
	v51 =	vperm.xlane v42, v2;
	v54 =	vperm.xlane v37, v3  }
0x1bc: {  	v40 =	vadd.f32 v40, v57;
	v32 =	vmul.f32 v45, v32;
	v61 =	vperm.xlane v41, v1  }
0x1bd: {  	v39 =	vadd.f32 v43, v60;
	v48 =	vperm.xlane v59, v2;
	v38 =	vadd.f32 v38, v63  }
0x1be: {  	v49 =	vperm.xlane v40, v2;
	v42 =	vadd.f32 v42, v51;
	v37 =	vadd.f32 v37, v54  }
0x1bf: {  	v32 =	vmul.f32 $8.000000000e+00, v32;
	v41 =	vadd.f32 v41, v61;
	v52 =	vperm.xlane v39, v2  }
0x1c0: {  	v40 =	vadd.f32 v40, v49;
	v55 =	vperm.xlane v38, v3;
	v58 =	vperm.xlane v42, v3  }
0x1c1: {  	v37 =	vmax.f32 v37, $1.000000000e+00;
	v50 =	vmul.f32 v36, v32;
	v36 =	vadd.f32 v59, v48  }
0x1c2: {  	v53 =	vperm.xlane v41, v2;
	v39 =	vadd.f32 v39, v52;
	v57 =	vperm.xlane v40, v3  }
0x1c3: {  	v38 =	vadd.f32 v38, v55;
	v42 =	vadd.f32 v42, v58;
	v61 =	vshra.s32 v37, $0x1  }
0x1c4: {  	v44 =	vsub.s32 $0x5F3759DF, v61;
	v56 =	vperm.xlane v36, v3;
	v41 =	vadd.f32 v41, v53  }
0x1c5: {  	v59 =	vperm.xlane v39, v3;
	v40 =	vadd.f32 v40, v57;
	v38 =	vmax.f32 v38, $1.000000000e+00  }
0x1c6: {  	v45 =	vmax.f32 v42, $1.000000000e+00;
	v42 =	vmul.f32 $5.000000000e-01, v37;
	v62 =	vshra.s32 v38, $0x1  }
0x1c7: {  	v43 =	vmul.f32 $5.000000000e-01, v38;
	v57 =	vshra.s32 v45, $0x1;
	v38 =	vmul.f32 $5.000000000e-01, v45  }
0x1c8: {  	v60 =	vperm.xlane v41, v3;
	v36 =	vadd.f32 v36, v56;
	v39 =	vadd.f32 v39, v59  }
0x1c9: {  	v40 =	vmax.f32 v40, $1.000000000e+00;
	v58 =	vmul.f32 v44, v42;
	v46 =	vsub.s32 $0x5F3759DF, v62  }
0x1ca: {  	v51 =	vsub.s32 $0x5F3759DF, v57;
	v56 =	vshra.s32 v40, $0x1;
	v40 =	vmul.f32 $5.000000000e-01, v40  }
0x1cb: {  	v61 =	vmul.f32 v46, v43;
	v57 =	vmul.f32 v51, v38;
	v36 =	vmax.f32 v36, $1.000000000e+00  }
0x1cc: {  	v41 =	vadd.f32 v41, v60;
	v39 =	vmax.f32 v39, $1.000000000e+00;
	v45 =	vmul.f32 v44, v58  }
0x1cd: {  	v54 =	vsub.s32 $0x5F3759DF, v56;
	v63 =	vshra.s32 v36, $0x1;
	v59 =	vshra.s32 v39, $0x1  }
0x1ce: {  	v37 =	vmul.f32 $5.000000000e-01, v39;
	v56 =	vmul.f32 v54, v40;
	v47 =	vmax.f32 v41, $1.000000000e+00  }
0x1cf: {  	v41 =	vmul.f32 $5.000000000e-01, v36;
	v53 =	vsub.s32 $0x5F3759DF, v63;
	v45 =	vsub.f32 $1.500000000e+00, v45  }
0x1d0: {  	v52 =	vsub.s32 $0x5F3759DF, v59;
	v63 =	vmul.f32 v46, v61;
	v36 =	vmul.f32 $5.000000000e-01, v47  }
0x1d1: {  	v60 =	vshra.s32 v47, $0x1;
	v39 =	vmul.f32 v52, v37;
	v61 =	vmul.f32 v54, v56  }
0x1d2: {  	v62 =	vmul.f32 v53, v41;
	v49 =	vsub.s32 $0x5F3759DF, v60;
	v47 =	vmul.f32 v44, v45  }
0x1d3: {  	v44 =	vmul.f32 v49, v36;
	v39 =	vmul.f32 v52, v39  }
0x1d4: {  	v45 =	vsub.f32 $1.500000000e+00, v63;
	v60 =	vmul.f32 v53, v62;
	v62 =	vmul.f32 v51, v57  }
0x1d5: {  	v55 =	vsub.f32 $1.500000000e+00, v61;
	v44 =	vmul.f32 v49, v44;
	v39 =	vsub.f32 $1.500000000e+00, v39  }
0x1d6: {  	s26 =	simm.s32 $0x0;
	v48 =	vmul.f32 v46, v45;
	v63 =	vsub.f32 $1.500000000e+00, v60;
	v56 =	vsub.f32 $1.500000000e+00, v62  }
0x1d7: {  	s31 =	smov.u32 s9;
	[tilespmem:s26+$0xCEB0] =	vst v50;
	v45 =	vmul.f32 v54, v55;
	v50 =	vsub.f32 $1.500000000e+00, v44;
	v39 =	vmul.f32 v52, v39  }
0x1d8: {  	s28 =	simm.s32 $0x0;
	s29 =	simm.s32 $0x0;
	s30 =	simm.s32 $0x10C;
	v46 =	vmul.f32 v53, v63;
	v44 =	vmul.f32 v51, v56  }
.LBB2_11:
0x1d9: {  	v51 =	vld [tilespmem:s30+$0x3];
	s29 =	sadd.s32 $0x8, s29;
	v42 =	vmul.f32 v47, v42;
	v49 =	vmul.f32 v49, v50  }
0x1da: {  	v43 =	vmul.f32 v48, v43;
	v41 =	vmul.f32 v46, v41;
	v50 =	vld [tilespmem:s30+$0xFFFFFFFD];
	p0 =	slt.u32 s29, $0xC0  }
0x1db: {  	v40 =	vmul.f32 v45, v40;
	v38 =	vmul.f32 v44, v38;
	v52 =	vld [tilespmem:s30+$0xFFFFFFFE]  }
0x1dc: {  	v37 =	vmul.f32 v39, v37;
	v36 =	vmul.f32 v49, v36;
	v53 =	vld [tilespmem:s30+$0xFFFFFFFF]  }
0x1dd: {  	v42 =	vmul.f32 v42, v47;
	v43 =	vmul.f32 v43, v48;
	v54 =	vld [tilespmem:s30+$0x0]  }
0x1de: {  	v41 =	vmul.f32 v41, v46;
	v40 =	vmul.f32 v40, v45;
	v55 =	vld [tilespmem:s30+$0x1];
	(v2sf) =	vpush v51, $0x0  }
0x1df: {  	v38 =	vmul.f32 v38, v44;
	v37 =	vmul.f32 v37, v39;
	v51 =	vld [tilespmem:s30+$0x2];
	(v2sf) =	vpush v50, $0x0  }
0x1e0: {  	v42 =	vsub.f32 $1.500000000e+00, v42;
	v36 =	vmul.f32 v36, v49;
	v50 =	vld [tilespmem:s30+$0xFFFFFFFC];
	(v2sf) =	vpush v52, $0x0  }
0x1e1: {  	v15 =	vmul.f32 v15, v32;
	v43 =	vsub.f32 $1.500000000e+00, v43;
	(v2sf) =	vpush v53, $0x0  }
0x1e2: {  	v41 =	vsub.f32 $1.500000000e+00, v41;
	v42 =	vmul.f32 v42, v47;
	(v2sf) =	vpush v54, $0x0  }
0x1e3: {  	v40 =	vsub.f32 $1.500000000e+00, v40;
	v43 =	vmul.f32 v43, v48;
	(v2sf) =	vpush v55, $0x0;
	[tilespmem:s26+$0xCE80] =	vst v15  }
0x1e4: {  	v38 =	vsub.f32 $1.500000000e+00, v38;
	v15 =	vmul.f32 v41, v46;
	(v2sf) =	vpush v51, $0x0  }
0x1e5: {  	v37 =	vsub.f32 $1.500000000e+00, v37;
	v40 =	vmul.f32 v40, v45;
	(v2sf) =	vpush v50, $0x0  }
0x1e6: {  	v36 =	vsub.f32 $1.500000000e+00, v36;
	v38 =	vmul.f32 v38, v44;
	v41 =	vmul.f32 $8.000000000e+00, v42  }
0x1e7: {  	v37 =	vmul.f32 v37, v39;
	v42 =	vmul.f32 $8.000000000e+00, v43  }
0x1e8: {  	v36 =	vmul.f32 v36, v49;
	v15 =	vmul.f32 $8.000000000e+00, v15  }
0x1e9: {  	v39 =	vmul.f32 $8.000000000e+00, v40;
	v38 =	vmul.f32 $8.000000000e+00, v38  }
0x1ea: {  	v37 =	vmul.f32 $8.000000000e+00, v37;
	v40 =	vmul.f32 $8.000000000e+00, v36  }
0x1eb: {  	v22 =	vmul.f32 v22, v41;
	v23 =	vmul.f32 v23, v41  }
0x1ec: {  	v29 =	vmul.f32 v29, v41;
	v35 =	vmul.f32 v35, v41  }
0x1ed: {  	v19 =	vmul.f32 v19, v42;
	v18 =	vmul.f32 v18, v42;
	s0 =	spop (v2sf);
	[tilespmem:s26+$0xCB00] =	vst v22  }
0x1ee: {  	s28 =	sadd.s32 $0x1000, s28;
	v22 =	vmul.f32 v28, v42;
	s0 =	sand.u32 $0x3, s0;
	s1 =	spop (v2sf);
	[tilespmem:s26+$0xCB10] =	vst v23;
	v23 =	vmul.f32 v34, v42  }
0x1ef: {  	s3 =	sshra.s32 s28, $0x2;
	v17 =	vmul.f32 v17, v15;
	v16 =	vmul.f32 v16, v15;
	s0 =	sshll.u32 s0, $0x5;
	s5 =	spop (v2sf);
	[tilespmem:s26+$0xCB20] =	vst v29  }
0x1f0: {  	v26 =	vmul.f32 v26, v15;
	v28 =	vmul.f32 v33, v15;
	s1 =	sand.u32 $0x3, s1;
	s0 =	sadd.s32 s3, s0;
	s8 =	spop (v2sf);
	[tilespmem:s26+$0xCB30] =	vst v35  }
0x1f1: {  	v14 =	vmul.f32 v14, v39;
	v12 =	vmul.f32 v12, v39;
	s5 =	sand.u32 $0x3, s5;
	s8 =	sand.u32 $0x3, s8;
	v29 =	vld [tilespmem:s0+$0x6A80];
	s11 =	spop (v2sf);
	[tilespmem:s26+$0xCB80] =	vst v19  }
0x1f2: {  	s1 =	sshll.u32 s1, $0x5;
	s11 =	sand.u32 $0x3, s11;
	s15 =	spop (v2sf);
	[tilespmem:s26+$0xCB90] =	vst v18;
	v18 =	vmul.f32 v24, v39;
	v24 =	vmul.f32 v31, v39  }
0x1f3: {  	v10 =	vmul.f32 v10, v38;
	v11 =	vmul.f32 v11, v38;
	s5 =	sshll.u32 s5, $0x5;
	s15 =	sand.u32 $0x3, s15;
	v19 =	vld [tilespmem:s0+$0x6A90];
	s0 =	spop (v2sf);
	[tilespmem:s26+$0xCBA0] =	vst v22  }
0x1f4: {  	v21 =	vmul.f32 v21, v38;
	v30 =	vmul.f32 v30, v38;
	s8 =	sshll.u32 s8, $0x5;
	s0 =	sand.u32 $0x3, s0;
	s17 =	spop (v2sf);
	[tilespmem:s26+$0xCBB0] =	vst v23  }
0x1f5: {  	v33 =	vmul.f32 v9, v37;
	v31 =	vmul.f32 v8, v37;
	s11 =	sshll.u32 s11, $0x5;
	s15 =	sshll.u32 s15, $0x5;
	s17 =	sand.u32 $0x3, s17;
	[tilespmem:s26+$0xCC00] =	vst v17  }
0x1f6: {  	v20 =	vmul.f32 v20, v37;
	s1 =	sadd.s32 s3, s1;
	s0 =	sshll.u32 s0, $0x5;
	s17 =	sshll.u32 s17, $0x5;
	v15 =	vshll.u32 v29, $0x10;
	v8 =	vand.u32 $0xFFFF0000, v29;
	[tilespmem:s26+$0xCC10] =	vst v16  }
0x1f7: {  	s5 =	sadd.s32 s3, s5;
	s23 =	sadd.s32 s3, s8;
	s17 =	sadd.s32 s3, s17;
	v9 =	vld [tilespmem:s1+$0x6780];
	v16 =	vmul.f32 v15, v15;
	v17 =	vmul.f32 v8, v8;
	[tilespmem:s26+$0xCC20] =	vst v26  }
0x1f8: {  	s11 =	sadd.s32 s3, s11;
	s8 =	sadd.s32 s3, s15;
	s0 =	sadd.s32 s3, s0;
	v26 =	vmul.f32 v27, v37;
	v27 =	vmul.f32 v7, v40;
	v23 =	vld [tilespmem:s17+$0x6700];
	v22 =	vshll.u32 v19, $0x10;
	[tilespmem:s26+$0xCC30] =	vst v28  }
0x1f9: {  	v34 =	vmul.f32 v6, v40;
	v7 =	vld [tilespmem:s5+$0x6800];
	v16 =	vadd.f32 v17, v16;
	v17 =	vmul.f32 v22, v22;
	[tilespmem:s26+$0xCC80] =	vst v14  }
0x1fa: {  	v13 =	vmul.f32 v13, v40;
	v25 =	vmul.f32 v25, v40;
	v36 =	vand.u32 $0xFFFF0000, v19;
	v6 =	vld [tilespmem:s23+$0x6880];
	[tilespmem:s26+$0xCC90] =	vst v12  }
0x1fb: {  	v35 =	vmul.f32 v4, v32;
	v14 =	vmul.f32 v36, v36;
	v28 =	vld [tilespmem:s11+$0x6900];
	v12 =	vadd.f32 v17, v16;
	[tilespmem:s26+$0xCCA0] =	vst v18  }
0x1fc: {  	v32 =	vmul.f32 v5, v32;
	v4 =	vmovc v8;
	v5 =	vmovc v22;
	v19 =	vshll.u32 v9, $0x10;
	v18 =	vand.u32 $0xFFFF0000, v9;
	v9 =	vld [tilespmem:s8+$0x6980];
	[tilespmem:s26+$0xCCB0] =	vst v24  }
0x1fd: {  	v22 =	vshll.u32 v23, $0x10;
	v23 =	vand.u32 $0xFFFF0000, v23;
	v24 =	vld [tilespmem:s0+$0x6A00];
	v29 =	vadd.f32 v12, v14;
	[tilespmem:s26+$0xCD00] =	vst v10  }
0x1fe: {  	v37 =	vld [tilespmem:s17+$0x6710];
	v38 =	vmul.f32 v22, v22;
	v17 =	vshll.u32 v7, $0x10;
	v16 =	vand.u32 $0xFFFF0000, v7;
	[tilespmem:s26+$0xCD10] =	vst v11  }
0x1ff: {  	v39 =	vld [tilespmem:s1+$0x6790];
	v14 =	vshll.u32 v6, $0x10;
	v12 =	vand.u32 $0xFFFF0000, v6;
	v6 =	vperm.xlane v29, v0;
	[tilespmem:s26+$0xCD20] =	vst v21  }
0x200: {  	v40 =	vmul.f32 v23, v23;
	v41 =	vld [tilespmem:s5+$0x6810];
	v10 =	vshll.u32 v28, $0x10;
	v11 =	vand.u32 $0xFFFF0000, v28;
	[tilespmem:s26+$0xCD30] =	vst v30  }
0x201: {  	v30 =	vld [tilespmem:s23+$0x6890];
	v8 =	vshll.u32 v9, $0x10;
	v9 =	vand.u32 $0xFFFF0000, v9;
	v21 =	vadd.f32 v29, v6;
	[tilespmem:s26+$0xCD80] =	vst v31  }
0x202: {  	v31 =	vmul.f32 v19, v19;
	v42 =	vld [tilespmem:s11+$0x6910];
	v7 =	vshll.u32 v24, $0x10;
	v6 =	vand.u32 $0xFFFF0000, v24;
	[tilespmem:s26+$0xCD90] =	vst v33  }
0x203: {  	v33 =	vmul.f32 v18, v18;
	v29 =	vshll.u32 v37, $0x10;
	v43 =	vld [tilespmem:s8+$0x6990];
	v24 =	vperm.xlane v21, v1;
	[tilespmem:s26+$0xCDA0] =	vst v20  }
0x204: {  	v44 =	vmul.f32 v17, v17;
	v45 =	vmul.f32 v16, v16;
	v28 =	vshll.u32 v39, $0x10;
	v46 =	vld [tilespmem:s0+$0x6A10];
	[tilespmem:s26+$0xCDB0] =	vst v26  }
0x205: {  	v47 =	vmul.f32 v14, v14;
	v48 =	vmul.f32 v12, v12;
	v49 =	vadd.f32 v21, v24;
	[tilespmem:s26+$0xCE00] =	vst v27  }
0x206: {  	v50 =	vmul.f32 v11, v11;
	v26 =	vshll.u32 v41, $0x10;
	v27 =	vmul.f32 v10, v10;
	[tilespmem:s26+$0xCE10] =	vst v34  }
0x207: {  	v24 =	vshll.u32 v30, $0x10;
	v34 =	vmul.f32 v8, v8;
	v51 =	vperm.xlane v49, v2;
	[tilespmem:s26+$0xCE20] =	vst v13  }
0x208: {  	v52 =	vmul.f32 v9, v9;
	v53 =	vmul.f32 v7, v7;
	v21 =	vshll.u32 v42, $0x10;
	[tilespmem:s26+$0xCE30] =	vst v25  }
0x209: {  	v20 =	vshll.u32 v43, $0x10;
	v25 =	vmul.f32 v6, v6;
	v49 =	vadd.f32 v49, v51;
	[tilespmem:s26+$0xCE90] =	vst v35  }
0x20a: {  	v38 =	vadd.f32 v40, v38;
	v40 =	vadd.f32 v33, v31;
	v13 =	vshll.u32 v46, $0x10;
	[tilespmem:s26+$0xCEA0] =	vst v32;
	s26 =	smov.u32 s3  }
0x20b: {  	v32 =	vadd.f32 v45, v44;
	v44 =	vadd.f32 v48, v47;
	v31 =	vperm.xlane v49, v3  }
0x20c: {  	v45 =	vmul.f32 v29, v29;
	v47 =	vadd.f32 v50, v27;
	v48 =	vadd.f32 v52, v34  }
0x20d: {  	v50 =	vmul.f32 v28, v28;
	v51 =	vadd.f32 v25, v53;
	v25 =	vadd.f32 v49, v31  }
0x20e: {  	v35 =	vand.u32 $0xFFFF0000, v37;
	v37 =	vmul.f32 v26, v26;
	v49 =	vmul.f32 v24, v24  }
0x20f: {  	v52 =	vmul.f32 v21, v21;
	v53 =	vmul.f32 v20, v20;
	v25 =	vmax.f32 v25, $1.000000000e+00  }
0x210: {  	v54 =	vmul.f32 v13, v13;
	v27 =	vshra.s32 v25, $0x1;
	v55 =	vmul.f32 $5.000000000e-01, v25  }
0x211: {  	v33 =	vand.u32 $0xFFFF0000, v41;
	v34 =	vand.u32 $0xFFFF0000, v39;
	v39 =	vsub.s32 $0x5F3759DF, v27  }
0x212: {  	v31 =	vand.u32 $0xFFFF0000, v30;
	v30 =	vand.u32 $0xFFFF0000, v42;
	v41 =	vmul.f32 v39, v55  }
0x213: {  	v38 =	vadd.f32 v45, v38;
	v25 =	vand.u32 $0xFFFF0000, v46;
	v27 =	vand.u32 $0xFFFF0000, v43  }
0x214: {  	v40 =	vadd.f32 v50, v40;
	v32 =	vadd.f32 v37, v32;
	v37 =	vmul.f32 v39, v41  }
0x215: {  	v42 =	vadd.f32 v49, v44;
	v43 =	vadd.f32 v52, v47;
	v41 =	vmul.f32 v35, v35  }
0x216: {  	v45 =	vadd.f32 v53, v48;
	v44 =	vmul.f32 v34, v34;
	v37 =	vsub.f32 $1.500000000e+00, v37  }
0x217: {  	v48 =	vadd.f32 v54, v51;
	v46 =	vmul.f32 v33, v33;
	v47 =	vmul.f32 v31, v31  }
0x218: {  	v38 =	vadd.f32 v38, v41;
	v41 =	vmul.f32 v30, v30;
	v37 =	vmul.f32 v39, v37  }
0x219: {  	v39 =	vadd.f32 v40, v44;
	v40 =	vmul.f32 v27, v27;
	v44 =	vmul.f32 v25, v25  }
0x21a: {  	v32 =	vadd.f32 v32, v46;
	v42 =	vadd.f32 v42, v47;
	v46 =	vmul.f32 v37, v55  }
0x21b: {  	v47 =	vperm.xlane v38, v0;
	v41 =	vadd.f32 v43, v41;
	v40 =	vadd.f32 v45, v40  }
0x21c: {  	v43 =	vperm.xlane v39, v0;
	v44 =	vadd.f32 v48, v44;
	v45 =	vmul.f32 v46, v37  }
0x21d: {  	v38 =	vadd.f32 v38, v47;
	v47 =	vperm.xlane v42, v0;
	v46 =	vperm.xlane v32, v0  }
0x21e: {  	v48 =	vperm.xlane v41, v0;
	v49 =	vperm.xlane v40, v0;
	v45 =	vsub.f32 $1.500000000e+00, v45  }
0x21f: {  	v39 =	vadd.f32 v39, v43;
	v43 =	vadd.f32 v32, v46;
	v32 =	vperm.xlane v44, v0  }
0x220: {  	v42 =	vadd.f32 v42, v47;
	v41 =	vadd.f32 v41, v48;
	v37 =	vmul.f32 v45, v37  }
0x221: {  	v40 =	vadd.f32 v40, v49;
	v45 =	vperm.xlane v38, v1;
	v44 =	vadd.f32 v44, v32  }
0x222: {  	v46 =	vperm.xlane v39, v1;
	v32 =	vmul.f32 $8.000000000e+00, v37  }
0x223: {  	v37 =	vadd.f32 v38, v45;
	v38 =	vperm.xlane v43, v1;
	v45 =	vperm.xlane v42, v1  }
0x224: {  	v39 =	vadd.f32 v39, v46;
	v46 =	vperm.xlane v41, v1;
	v36 =	vmul.f32 v36, v32  }
0x225: {  	v47 =	vperm.xlane v44, v1;
	v38 =	vadd.f32 v43, v38;
	v43 =	vperm.xlane v40, v1  }
0x226: {  	v41 =	vadd.f32 v41, v46;
	v48 =	vperm.xlane v37, v2;
	v42 =	vadd.f32 v42, v45;
	[tilespmem:s26+$0xCEB0] =	vst v36  }
0x227: {  	v36 =	vperm.xlane v39, v2;
	v40 =	vadd.f32 v40, v43;
	v43 =	vadd.f32 v44, v47  }
0x228: {  	v37 =	vadd.f32 v37, v48;
	v44 =	vperm.xlane v38, v2;
	v45 =	vperm.xlane v42, v2  }
0x229: {  	v36 =	vadd.f32 v39, v36;
	v39 =	vperm.xlane v41, v2;
	v46 =	vperm.xlane v40, v2  }
0x22a: {  	v38 =	vadd.f32 v38, v44;
	v42 =	vadd.f32 v42, v45;
	v44 =	vperm.xlane v43, v2  }
0x22b: {  	v45 =	vperm.xlane v37, v3;
	v39 =	vadd.f32 v41, v39;
	v40 =	vadd.f32 v40, v46  }
0x22c: {  	v41 =	vperm.xlane v36, v3;
	v46 =	vperm.xlane v38, v3;
	v43 =	vadd.f32 v43, v44  }
0x22d: {  	v37 =	vadd.f32 v37, v45;
	v44 =	vperm.xlane v42, v3;
	v45 =	vperm.xlane v39, v3  }
0x22e: {  	v36 =	vadd.f32 v36, v41;
	v41 =	vperm.xlane v40, v3;
	v47 =	vperm.xlane v43, v3  }
0x22f: {  	v37 =	vmax.f32 v37, $1.000000000e+00;
	v38 =	vadd.f32 v38, v46;
	v42 =	vadd.f32 v42, v44  }
0x230: {  	v36 =	vmax.f32 v36, $1.000000000e+00;
	v39 =	vadd.f32 v39, v45;
	v40 =	vadd.f32 v40, v41  }
0x231: {  	v38 =	vmax.f32 v38, $1.000000000e+00;
	v44 =	vmax.f32 v42, $1.000000000e+00;
	v41 =	vadd.f32 v43, v47  }
0x232: {  	v45 =	vshra.s32 v37, $0x1;
	v39 =	vmax.f32 v39, $1.000000000e+00;
	v46 =	vmax.f32 v40, $1.000000000e+00  }
0x233: {  	v42 =	vmul.f32 $5.000000000e-01, v37;
	v47 =	vshra.s32 v36, $0x1;
	v48 =	vmax.f32 v41, $1.000000000e+00  }
0x234: {  	v43 =	vmul.f32 $5.000000000e-01, v36;
	v49 =	vshra.s32 v38, $0x1;
	v41 =	vmul.f32 $5.000000000e-01, v38  }
0x235: {  	v50 =	vshra.s32 v44, $0x1;
	v40 =	vmul.f32 $5.000000000e-01, v44;
	v44 =	vshra.s32 v39, $0x1  }
0x236: {  	v38 =	vmul.f32 $5.000000000e-01, v39;
	v39 =	vshra.s32 v46, $0x1;
	v37 =	vmul.f32 $5.000000000e-01, v46  }
0x237: {  	v45 =	vsub.s32 $0x5F3759DF, v45;
	v46 =	vshra.s32 v48, $0x1;
	v36 =	vmul.f32 $5.000000000e-01, v48  }
0x238: {  	v51 =	vsub.s32 $0x5F3759DF, v49;
	v50 =	vsub.s32 $0x5F3759DF, v50;
	v48 =	vsub.s32 $0x5F3759DF, v47  }
0x239: {  	v44 =	vsub.s32 $0x5F3759DF, v44;
	v39 =	vsub.s32 $0x5F3759DF, v39;
	v49 =	vsub.s32 $0x5F3759DF, v46  }
0x23a: {  	v46 =	vmul.f32 v45, v42;
	v47 =	vmul.f32 v48, v43  }
0x23b: {  	v52 =	vmul.f32 v51, v41;
	v53 =	vmul.f32 v50, v40  }
0x23c: {  	v54 =	vmul.f32 v44, v38;
	v55 =	vmul.f32 v39, v37  }
0x23d: {  	v56 =	vmul.f32 v49, v36;
	v46 =	vmul.f32 v45, v46  }
0x23e: {  	v47 =	vmul.f32 v48, v47;
	v52 =	vmul.f32 v51, v52  }
0x23f: {  	v53 =	vmul.f32 v50, v53;
	v54 =	vmul.f32 v44, v54;
	v46 =	vsub.f32 $1.500000000e+00, v46  }
.Ltmp4:
0x240: {  	v55 =	vmul.f32 v39, v55;
	v56 =	vmul.f32 v49, v56;
	v57 =	vsub.f32 $1.500000000e+00, v47;
	(pc) =	sbr.rel @p0 .LBB2_11-.Ltmp4, $4  }
0x241: {  	v47 =	vmul.f32 v45, v46;
	v45 =	vsub.f32 $1.500000000e+00, v52;
	v52 =	vsub.f32 $1.500000000e+00, v53  }
0x242: {  	v48 =	vmul.f32 v48, v57;
	v53 =	vsub.f32 $1.500000000e+00, v54;
	v54 =	vsub.f32 $1.500000000e+00, v55  }
0x243: {  	v46 =	vmul.f32 v51, v45;
	v45 =	vmul.f32 v50, v52;
	v50 =	vsub.f32 $1.500000000e+00, v56  }
0x244: {  	s30 =	sadd.s32 $0x8, s30;
	v44 =	vmul.f32 v44, v53;
	v39 =	vmul.f32 v39, v54  }
0x245: {  	v42 =	vmul.f32 v47, v42;
	_ =	sdelay $0x1  }
0x246: {  	v42 =	vmul.f32 v42, v47;
	_ =	sdelay $0x1  }
0x247: {  	v43 =	vmul.f32 v48, v43;
	v42 =	vsub.f32 $1.500000000e+00, v42  }
0x248: {  	v41 =	vmul.f32 v46, v41  }
0x249: {  	v43 =	vmul.f32 v43, v48;
	v42 =	vmul.f32 v42, v47  }
0x24a: {  	v58 =	vmul.f32 v49, v50;
	v15 =	vmul.f32 v15, v32  }
0x24b: {  	v4 =	vmul.f32 v4, v32;
	v43 =	vsub.f32 $1.500000000e+00, v43;
	v42 =	vmul.f32 $8.000000000e+00, v42  }
0x24c: {  	v5 =	vmul.f32 v5, v32;
	v41 =	vmul.f32 v41, v46;
	[tilespmem:s26+$0xCE80] =	vst v15  }
0x24d: {  	[tilespmem:s26+$0xCE90] =	vst v4;
	v43 =	vmul.f32 v43, v48;
	v22 =	vmul.f32 v22, v42  }
0x24e: {  	v40 =	vmul.f32 v45, v40;
	[tilespmem:s26+$0xCEA0] =	vst v5;
	v59 =	vmul.f32 v23, v42  }
0x24f: {  	v60 =	vsub.f32 $1.500000000e+00, v41;
	v61 =	vmul.f32 $8.000000000e+00, v43;
	v29 =	vmul.f32 v29, v42;
	[tilespmem:s26+$0xCB00] =	vst v22  }
0x250: {  	v62 =	vmul.f32 v40, v45;
	v35 =	vmul.f32 v35, v42;
	[tilespmem:s26+$0xCB10] =	vst v59  }
0x251: {  	v63 =	vmul.f32 v60, v46;
	v19 =	vmul.f32 v19, v61;
	[tilespmem:s26+$0xCB20] =	vst v29  }
0x252: {  	v40 =	vmul.f32 v44, v38;
	v18 =	vmul.f32 v18, v61;
	[tilespmem:s26+$0xCB30] =	vst v35  }
0x253: {  	v15 =	vmul.f32 $8.000000000e+00, v63;
	v28 =	vmul.f32 v28, v61;
	v22 =	vsub.f32 $1.500000000e+00, v62;
	[tilespmem:s26+$0xCB80] =	vst v19  }
0x254: {  	v42 =	vmul.f32 v40, v44;
	v43 =	vmul.f32 v34, v61;
	[tilespmem:s26+$0xCB90] =	vst v18  }
0x255: {  	v17 =	vmul.f32 v17, v15;
	[tilespmem:s26+$0xCBA0] =	vst v28;
	v45 =	vmul.f32 v22, v45  }
0x256: {  	v46 =	vmul.f32 v39, v37;
	v16 =	vmul.f32 v16, v15;
	[tilespmem:s26+$0xCBB0] =	vst v43  }
0x257: {  	v48 =	vmul.f32 v26, v15;
	v19 =	vsub.f32 $1.500000000e+00, v42;
	[tilespmem:s26+$0xCC00] =	vst v17;
	v18 =	vmul.f32 $8.000000000e+00, v45  }
0x258: {  	v49 =	vmul.f32 v46, v39;
	v15 =	vmul.f32 v33, v15;
	[tilespmem:s26+$0xCC10] =	vst v16  }
0x259: {  	[tilespmem:s26+$0xCC20] =	vst v48;
	v50 =	vmul.f32 v19, v44;
	v14 =	vmul.f32 v14, v18  }
0x25a: {  	v51 =	vmul.f32 v58, v36;
	[tilespmem:s26+$0xCC30] =	vst v15;
	v12 =	vmul.f32 v12, v18  }
0x25b: {  	v52 =	vsub.f32 $1.500000000e+00, v49;
	v16 =	vmul.f32 $8.000000000e+00, v50;
	v53 =	vmul.f32 v24, v18;
	[tilespmem:s26+$0xCC80] =	vst v14  }
0x25c: {  	v54 =	vmul.f32 v51, v58;
	v18 =	vmul.f32 v31, v18;
	[tilespmem:s26+$0xCC90] =	vst v12  }
0x25d: {  	v55 =	vmul.f32 v52, v39;
	v10 =	vmul.f32 v10, v16;
	[tilespmem:s26+$0xCCA0] =	vst v53  }
0x25e: {  	v11 =	vmul.f32 v11, v16;
	[tilespmem:s26+$0xCCB0] =	vst v18  }
0x25f: {  	v56 =	vmul.f32 v21, v16;
	v14 =	vsub.f32 $1.500000000e+00, v54;
	v12 =	vmul.f32 $8.000000000e+00, v55;
	[tilespmem:s26+$0xCD00] =	vst v10  }
0x260: {  	v57 =	vmul.f32 v30, v16;
	[tilespmem:s26+$0xCD10] =	vst v11  }
0x261: {  	[tilespmem:s26+$0xCD20] =	vst v56;
	v58 =	vmul.f32 v14, v58;
	v8 =	vmul.f32 v8, v12  }
0x262: {  	[tilespmem:s26+$0xCD30] =	vst v57;
	v9 =	vmul.f32 v9, v12  }
0x263: {  	v60 =	vmul.f32 v20, v12;
	v59 =	vmul.f32 $8.000000000e+00, v58;
	[tilespmem:s26+$0xCD80] =	vst v8  }
0x264: {  	v61 =	vmul.f32 v27, v12;
	[tilespmem:s26+$0xCD90] =	vst v9  }
0x265: {  	[tilespmem:s26+$0xCDA0] =	vst v60;
	v7 =	vmul.f32 v7, v59  }
0x266: {  	s0 =	sshll.u32 s25, $0x2;
	[tilespmem:s26+$0xCDB0] =	vst v61;
	v6 =	vmul.f32 v6, v59  }
0x267: {  	s0 =	sadd.s32 s7, s0;
	v62 =	vmul.f32 v13, v59;
	[tilespmem:s26+$0xCE00] =	vst v7  }
0x268: {  	s1 =	smul.u32 $0x380, s0;
	v63 =	vmul.f32 v25, v59;
	[tilespmem:s26+$0xCE10] =	vst v6  }
0x269: {  	[tilespmem:s26+$0xCE20] =	vst v62  }
0x26a: {  	s0 =	smul.u32 $0x1C00, s0;
	s1 =	sadd.s32 s6, s1;
	[tilespmem:s26+$0xCE30] =	vst v63  }
0x26b: {  	[hbm4b:s1+s4] =	stream.linear.scatter [tilespmem:s19], [sflag:$0x2], $0x1900, $0x38;
	[tilespmem:$0x12F00] =	vst v63  }
0x26c: {  	s0 =	sshrl.u32 s0, $0x3;
	_ =	swait.ge [sflag:s12], $0x1900  }
0x26d: {  	s0 =	sadd.s32 s6, s0;
	[sflag:s12] =	ssyncset.done $0x0  }
0x26e: {  	s29 =	sadd.s32 $0x380, s0;
	[sflag:s12] =	ssyncadd.s32 $0xFFFFE700  }
0x26f: {  	[hbm4b:s29+s4] =	stream.linear.scatter [tilespmem:s20], [sflag:$0x2], $0x1900, $0x38;
	[tilespmem:$0x12F00] =	vst v63  }
0x270: {  	_ =	swait.ge [sflag:s12], $0x1900  }
0x271: {  	[sflag:s12] =	ssyncset.done $0x0  }
0x272: {  	s30 =	sadd.s32 $0x700, s0;
	[sflag:s12] =	ssyncadd.s32 $0xFFFFE700  }
0x273: {  	[hbm4b:s30+s4] =	stream.linear.scatter [tilespmem:s21], [sflag:$0x2], $0x1900, $0x38;
	[tilespmem:$0x12F00] =	vst v63  }
0x274: {  	s24 =	sadd.s32 $0x1, s24;
	_ =	swait.ge [sflag:s12], $0x1900  }
0x275: {  	p0 =	sne.s32 s24, $0x40;
	[sflag:s12] =	ssyncset.done $0x0  }
.Ltmp5:
0x276: {  	s0 =	sadd.s32 $0xA80, s0;
	[sflag:s12] =	ssyncadd.s32 $0xFFFFE700;
	(pc) =	sbr.rel @p0 .LBB2_4-.Ltmp5, $4  }
0x277: {  	[hbm4b:s0+s4] =	stream.linear.scatter [tilespmem:s22], [sflag:$0x2], $0x1900, $0x38;
	[tilespmem:$0x12F00] =	vst v63  }
0x278: {  	_ =	swait.ge [sflag:s12], $0x1900  }
0x279: {  	[sflag:s12] =	ssyncset.done $0x0  }
0x27a: {  	[sflag:s12] =	ssyncadd.s32 $0xFFFFE700  }
0x27b: {  	_ =	swait.ge [sflag:s16], $0x6400  }
0x27c: {  	s1 =	rddreg [dreg:$0x8]  }
0x27d: {  	s0 =	rddreg [dreg:$0x7];
	s1 =	sadd.s32 $0x1, s1  }
0x27e: {  	p0 =	sne.s32 s1, s0  }
.Ltmp6:
0x27f: {  	_ = 	snop;
	(pc) =	sbr.rel @p0 .LBB2_1-.Ltmp6, $3  }
0x280: {  	_ =	sdelay $0x1  }
0x281: {  	[sflag:s16] =	ssyncset.done $0x0  }
0x282: {  	[sflag:s16] =	ssyncadd.s32 $0xFFFF9C00  }
0x283: {  	_ =	sfence.sel $0x180000  }
0x284: {  	[bflag:$0x0] =	sbarrier.arrive $0xFFFF  }
0x285: {  	_ =	strace $0x90000047  }
0x286: {  	s0 =	stileid.u32;
	[bflag:$0x2] =	sbarrier.arrive $0xFFFF  }
0x287: {  	p0 =	sne.s32 s0, $0x0;
	s0 =	rddreg [dreg:$0x3]  }
0x288: {  	s0 =	sadd.s32 @!p0 $0x100000, s0  }
0x289: {  	[sflag:s0] =	ssyncadd.tile.s32 @!p0 $0x1;
	_ =	shalt  }
.Lfunc_end2:
_tile_overlayer_lowered:
.L_overlay_start_2:
0x28a: {  	(tag) =	ssettag $0x2  }
0x28b: {  	s0 =	rddreg [dreg:$0x0];
	s2 =	stileid.u32  }
0x28c: {  	s1 =	rddreg [dreg:$0x1];
	p0 =	sne.s32 s2, $0x0  }
0x28d: {  	s3 =	rddreg [dreg:$0x2];
	[bflag:$0x3] =	sbarrier.arrive $0xFFFF;
	s2 =	simm.s32 @!p0 $0x1C02  }
0x28e: {  	[timem:s3], [sflag:s2] =	dma.local @!p0 [hbm:s0], s1  }
0x28f: {  	s0 =	simm.s32 @!p0 $0x2  }
0x290: {  	_ =	swait.ge @!p0 [sflag:s0], s1  }
0x291: {  	s1 =	ssub.s32 @!p0 $0x0, s1;
	[sflag:s0] =	ssyncset.done @!p0 $0x0  }
0x292: {  	[sflag:s0] =	ssyncadd.s32 @!p0 s1  }
0x293: {  	[bflag:$0x3] =	sbarrier.arrive $0xFFFF  }
0x294: {  	_ =	shalt  }

</sc_bundles>
